<compile_context>
chip_gen: v7x
topology: tpu7x:2x2x1
jax: 0.10.2.dev20260603
libtpu: 0.0.44.dev20260713+nightly
codegen_flags: <defaults>
</compile_context>

<pallas_src>
import functools

import jax
import jax.numpy as jnp
from jax import lax
from jax.experimental import pallas as pl
from jax.experimental.pallas import tpu as pltpu
from jax.experimental.pallas import tpu_sc as plsc

NA = 100000
NE = 3200000
NC, NS = 2, 16
NW = NC * NS
EPW = NE // NW
CH = 2000
NCHUNK = EPW // CH
NG = CH // 16

BLK = 25600
NBLK = NE // BLK
HID = 64


def _sc_body(qpad, nbrt, offst, cellb, out_s, out_g0, out_g1, out_g2,
             idxi_v, idxj_v, rowsi_v, rowsj_v, o0_v, o1_v, o2_v,
             sb_v, g0b_v, g1b_v, g2b_v, cellb_v, sem):
    outs = (out_s, out_g0, out_g1, out_g2)
    bufs = (sb_v, g0b_v, g1b_v, g2b_v)
    ov = (o0_v, o1_v, o2_v)
    wid = lax.axis_index("s") * NC + lax.axis_index("c")
    pltpu.sync_copy(cellb, cellb_v)
    cvec = [cellb_v[0], cellb_v[1], cellb_v[2]]

    iota = lax.iota(jnp.int32, 16)
    zero16 = iota * 0

    def chunk_body(k, carry):
        base = wid * EPW + k * CH
        pltpu.sync_copy(nbrt.at[0, pl.ds(base, CH)], idxi_v)
        pltpu.sync_copy(nbrt.at[1, pl.ds(base, CH)], idxj_v)
        cp1 = pltpu.async_copy(qpad.at[idxi_v], rowsi_v, sem)
        cp2 = pltpu.async_copy(qpad.at[idxj_v], rowsj_v, sem)
        for c in range(3):
            pltpu.sync_copy(offst.at[c, pl.ds(base, CH)], ov[c])
        cp1.wait()
        cp2.wait()

        def group_body(g, carry2):
            erow = 16 * g + iota
            e = pl.ds(16 * g, 16)
            gk = []
            s = None
            for c in range(3):
                col = zero16 + c
                qi = plsc.load_gather(rowsi_v, [erow, col])
                qj = plsc.load_gather(rowsj_v, [erow, col])
                oc = ov[c][e]
                rc = qi - qj - oc * cvec[c]
                sq = rc * rc
                s = sq if s is None else s + sq
                gk.append(oc * rc)
            sb_v[e] = s
            g0b_v[e] = gk[0]
            g1b_v[e] = gk[1]
            g2b_v[e] = gk[2]
            return carry2

        lax.fori_loop(0, NG, group_body, 0, unroll=False)
        for buf, o in zip(bufs, outs):
            pltpu.sync_copy(buf, o.at[pl.ds(base, CH)])
        return carry

    lax.fori_loop(0, NCHUNK, chunk_body, 0, unroll=False)


def _sc_stage(qpad, nbrt, offst, cellb):
    mesh = plsc.VectorSubcoreMesh(core_axis_name="c", subcore_axis_name="s",
                                  num_cores=NC, num_subcores=NS)
    fn = pl.kernel(
        _sc_body,
        out_type=[jax.ShapeDtypeStruct((NE,), jnp.float32)] * 4,
        mesh=mesh,
        compiler_params=pltpu.CompilerParams(needs_layout_passes=False,
                                             use_tc_tiling_on_sc=False),
        scratch_types=[
            pltpu.VMEM((CH,), jnp.int32),
            pltpu.VMEM((CH,), jnp.int32),
            pltpu.VMEM((CH, 4), jnp.float32),
            pltpu.VMEM((CH, 4), jnp.float32),
            pltpu.VMEM((CH,), jnp.float32),
            pltpu.VMEM((CH,), jnp.float32),
            pltpu.VMEM((CH,), jnp.float32),
            pltpu.VMEM((CH,), jnp.float32),
            pltpu.VMEM((CH,), jnp.float32),
            pltpu.VMEM((CH,), jnp.float32),
            pltpu.VMEM((CH,), jnp.float32),
            pltpu.VMEM((3, 16), jnp.float32),
            pltpu.SemaphoreType.DMA,
        ],
    )
    return fn(qpad, nbrt, offst, cellb)


def _tc_body(sv, g0, g1, g2, w1, b1, w2, cell, v4, m4, out, acc):
    pid = pl.program_id(0)

    @pl.when(pid == 0)
    def _init():
        ke = 0.5 * jnp.sum(v4[...] * v4[...] * m4[...])
        acc[0] = ke
        acc[1] = 0.0
        acc[2] = 0.0
        acc[3] = 0.0

    s = sv[...]
    dinv = lax.rsqrt(s + 1e-12)
    d = (s + 1e-12) * dinv
    fs = None
    c0 = None
    for h in range(HID):
        w1s = w1[h]
        cs = w1s * w2[h]
        t = jnp.tanh(d * w1s + b1[h])
        tt = cs * (t * t)
        fs = tt if fs is None else fs + tt
        c0 = cs if c0 is None else c0 + cs
    coef = (c0 - fs) * dinv
    acc[1] += jnp.sum(coef * g0[...])
    acc[2] += jnp.sum(coef * g1[...])
    acc[3] += jnp.sum(coef * g2[...])

    @pl.when(pid == NBLK - 1)
    def _fin():
        c0, c1, c2 = cell[0], cell[1], cell[2]
        vol = c0 * c1 * c2
        temperature = acc[0] / (NA * 3 * 0.5)
        p_ideal = NA * temperature / vol
        scale = 1.0 / (c0 * c1)
        out[0] = p_ideal + acc[1] * scale
        out[1] = p_ideal + acc[2] * scale
        out[2] = p_ideal + acc[3] * scale


def _tc_stage(sv, g0, g1, g2, w1t, b1c, w2, cell, v4, m4):
    return pl.pallas_call(
        _tc_body,
        grid=(NBLK,),
        in_specs=[
            pl.BlockSpec((BLK,), lambda i: (i,)),
            pl.BlockSpec((BLK,), lambda i: (i,)),
            pl.BlockSpec((BLK,), lambda i: (i,)),
            pl.BlockSpec((BLK,), lambda i: (i,)),
            pl.BlockSpec(memory_space=pltpu.SMEM),
            pl.BlockSpec(memory_space=pltpu.SMEM),
            pl.BlockSpec(memory_space=pltpu.SMEM),
            pl.BlockSpec(memory_space=pltpu.SMEM),
            pl.BlockSpec((NA * 4 // 128, 128), lambda i: (0, 0)),
            pl.BlockSpec((NA * 4 // 128, 128), lambda i: (0, 0)),
        ],
        out_specs=pl.BlockSpec(memory_space=pltpu.SMEM),
        out_shape=jax.ShapeDtypeStruct((3,), jnp.float32),
        scratch_shapes=[pltpu.SMEM((4,), jnp.float32)],
    )(sv, g0, g1, g2, w1t, b1c, w2, cell, v4, m4)


def kernel(q, v, nbr, offsets, mass, cell, W1, b1, W2, b2):
    qpad = jnp.pad(q, ((0, 0), (0, 1)))
    cellb = jnp.broadcast_to(cell[:, None], (3, 16))

    sv, g0, g1, g2 = _sc_stage(qpad, nbr.T, offsets.T, cellb)

    w1f = W1.reshape(HID)
    w2f = W2.reshape(HID)
    v4 = jnp.pad(v, ((0, 0), (0, 1))).reshape(NA * 4 // 128, 128)
    m4 = jnp.broadcast_to(mass[:, None], (NA, 4)).reshape(NA * 4 // 128, 128)
    return _tc_stage(sv, g0, g1, g2, w1f, b1, w2f, cell, v4, m4)

# --- scband reference (transcript-rebuilt; emitter-appended) ---
"""Pipeline reference for scband-pressure-57698590655162 (READ-ONLY COPY).

The authoritative reference and input builder live on the scoring server;
editing this copy changes nothing except your own understanding.
"""

import jax, jax.numpy as jnp
import numpy as np

N_ATOMS = 100000
N_EDGES = 3200000
DIM = 3
HIDDEN = 64


def setup_inputs(seed: int = 0) -> dict:
    key = jax.random.key(seed)
    ks = jax.random.split(key, 10)
    q = jax.random.normal(ks[0], (N_ATOMS, DIM), dtype=jnp.float32) * 10.0
    v = jax.random.normal(ks[1], (N_ATOMS, DIM), dtype=jnp.float32)
    nbr = jax.random.randint(ks[2], (N_EDGES, 2), 0, N_ATOMS, dtype=jnp.int32)
    # periodic-image offset counts in {-1, 0, 1}
    offsets = jax.random.randint(ks[3], (N_EDGES, DIM), -1, 2).astype(jnp.float32)
    # system parameters (from __init__ via `system`)
    mass = jax.random.uniform(ks[4], (N_ATOMS,), minval=0.5, maxval=1.5, dtype=jnp.float32)
    cell = jnp.array([60.0, 60.0, 60.0], dtype=jnp.float32)
    # pair-potential MLP parameters (from `model`): scalar distance -> energy
    W1 = jax.random.normal(ks[5], (1, HIDDEN), dtype=jnp.float32) * 0.5
    b1 = jnp.zeros((HIDDEN,), dtype=jnp.float32)
    W2 = jax.random.normal(ks[6], (HIDDEN, 1), dtype=jnp.float32) * 0.1
    b2 = jnp.zeros((1,), dtype=jnp.float32)
    return {"q": q, "v": v, "nbr": nbr, "offsets": offsets, "mass": mass,
            "cell": cell, "W1": W1, "b1": b1, "W2": W2, "b2": b2}


def reference(q, v, nbr, offsets, mass, cell, W1, b1, W2, b2):
    # Pressure.forward(q, v): virial from d(pair energy)/d(cell) + ideal-gas term.
    def pair_energy(cell_):
        dis = q[nbr[:, 0]] - q[nbr[:, 1]] - offsets * cell_[None, :]
        dis_norm = jnp.sqrt(jnp.sum(dis * dis, axis=-1) + 1e-12)
        h = jnp.tanh(dis_norm[:, None] @ W1 + b1)
        return jnp.sum(h @ W2 + b2)

    grad_cell = jax.grad(pair_energy)(cell)  # compute_grad(cell, u)
    N_dof = mass.shape[0] * DIM
    p = v * mass[:, None]
    ke = 0.5 * jnp.sum((p * p) / mass[:, None])
    temperature = ke / (N_dof * 0.5)
    volume = cell[0] * cell[1] * cell[2]
    p_ideal = mass.shape[0] * temperature / volume
    p_virial = grad_cell * (1.0 / (cell[0] * cell[1]))
    pressure = p_ideal - p_virial
    return pressure

if __name__ == "__main__":
    import jax
    _d = setup_inputs()
    print(jax.jit(kernel)(*tuple(_d.values())))

</pallas_src>

<mosaic_0001>
#map = affine_map<(d0, d1) -> (0, 0)>
#map1 = affine_map<(d0, d1) -> (0)>
module attributes {stable_mosaic.version = 14 : i64} {
  func.func @_sc_body(%arg0: i32, %arg1: i32, %arg2: memref<100000x4xf32, #tpu.memory_space<hbm>>, %arg3: memref<2x3200000xi32, #tpu.memory_space<hbm>>, %arg4: memref<3x3200000xf32, #tpu.memory_space<hbm>>, %arg5: memref<3x16xf32, #tpu.memory_space<hbm>>, %arg6: memref<3200000xf32, #tpu.memory_space<hbm>>, %arg7: memref<3200000xf32, #tpu.memory_space<hbm>>, %arg8: memref<3200000xf32, #tpu.memory_space<hbm>>, %arg9: memref<3200000xf32, #tpu.memory_space<hbm>>, %arg10: memref<2000xi32, #tpu.memory_space<vmem>>, %arg11: memref<2000xi32, #tpu.memory_space<vmem>>, %arg12: memref<2000x4xf32, #tpu.memory_space<vmem>>, %arg13: memref<2000x4xf32, #tpu.memory_space<vmem>>, %arg14: memref<2000xf32, #tpu.memory_space<vmem>>, %arg15: memref<2000xf32, #tpu.memory_space<vmem>>, %arg16: memref<2000xf32, #tpu.memory_space<vmem>>, %arg17: memref<2000xf32, #tpu.memory_space<vmem>>, %arg18: memref<2000xf32, #tpu.memory_space<vmem>>, %arg19: memref<2000xf32, #tpu.memory_space<vmem>>, %arg20: memref<2000xf32, #tpu.memory_space<vmem>>, %arg21: memref<3x16xf32, #tpu.memory_space<vmem>>, %arg22: memref<!tpu.dma_semaphore, #tpu.memory_space<semaphore_mem>>) attributes {dimension_semantics = [#tpu.dimension_semantics<core_parallel>, #tpu.dimension_semantics<subcore_parallel>], iteration_bounds = array<i64: 2, 16>, scalar_prefetch = 0 : i64, scratch_operands = 13 : i64, tpu.core_type = #tpu.core_type<sc_vector_subcore>, window_params = [{transform_indices = #map}, {transform_indices = #map}, {transform_indices = #map}, {transform_indices = #map}, {transform_indices = #map1}, {transform_indices = #map1}, {transform_indices = #map1}, {transform_indices = #map1}]} {
    %mul3A = arith.constant 2 : i32
    %mul3A_0 = arith.muli %arg1, %mul3A : i32
    %add3A = arith.addi %mul3A_0, %arg0 : i32
    "tpu.region"() ({
      %run_scoped3A = tpu.sem_alloc : memref<!tpu.dma_semaphore, #tpu.memory_space<semaphore_mem>>
      tpu.enqueue_dma source(%arg5 : memref<3x16xf32, #tpu.memory_space<hbm>>) target(%arg21 : memref<3x16xf32, #tpu.memory_space<vmem>>) target_semaphore(%run_scoped3A : memref<!tpu.dma_semaphore, #tpu.memory_space<semaphore_mem>>)
      tpu.wait_dma2 semaphore(%run_scoped3A : memref<!tpu.dma_semaphore, #tpu.memory_space<semaphore_mem>>) src(%arg5 : memref<3x16xf32, #tpu.memory_space<hbm>>) dst(%arg21 : memref<3x16xf32, #tpu.memory_space<vmem>>)
      tpu.yield
    }) : () -> ()
    %get3A = arith.constant 0 : i32
    %get3A_1 = arith.index_cast %get3A : i32 to index
    %get3A_2 = arith.constant 0 : index
    %get3A_3 = tpu.vector_load %arg21[%get3A_1, %get3A_2] {strides = array<i32>} : memref<3x16xf32, #tpu.memory_space<vmem>>, vector<16xf32>,
    %get3A_4 = arith.constant 1 : i32
    %get3A_5 = arith.index_cast %get3A_4 : i32 to index
    %get3A_6 = arith.constant 0 : index
    %get3A_7 = tpu.vector_load %arg21[%get3A_5, %get3A_6] {strides = array<i32>} : memref<3x16xf32, #tpu.memory_space<vmem>>, vector<16xf32>,
    %get3A_8 = arith.constant 2 : i32
    %get3A_9 = arith.index_cast %get3A_8 : i32 to index
    %get3A_10 = arith.constant 0 : index
    %get3A_11 = tpu.vector_load %arg21[%get3A_9, %get3A_10] {strides = array<i32>} : memref<3x16xf32, #tpu.memory_space<vmem>>, vector<16xf32>,
    %iota3A = tpu.iota {dimensions = array<i32: 0>} : vector<16xi32>
    %mul3A_12 = arith.constant 0 : i32
    %mul3A_13 = vector.broadcast %mul3A_12 : i32 to vector<16xi32>
    %mul3A_14 = arith.muli %iota3A, %mul3A_13 : vector<16xi32>
    %scan3A = arith.constant 0 : i32
    %scan3A_15 = arith.constant 0 : i32
    %scan3A_16 = arith.constant 50 : i32
    %scan3A_17 = arith.addi %scan3A_15, %scan3A_16 : i32
    %scan3A_18 = arith.constant 1 : i32
    scf.for %scan3A_20 = %scan3A_15 to %scan3A_17 step %scan3A_18  : i32 {
      %mul3A_21 = arith.constant 100000 : i32
      %mul3A_22 = arith.muli %add3A, %mul3A_21 : i32
      %mul3A_23 = arith.constant 2000 : i32
      %mul3A_24 = arith.muli %scan3A_20, %mul3A_23 : i32
      %add3A_25 = arith.addi %mul3A_22, %mul3A_24 : i32
      %run_scoped3A = arith.constant 0 : i32
      "tpu.region"() ({
        %run_scoped3A_46 = tpu.sem_alloc : memref<!tpu.dma_semaphore, #tpu.memory_space<semaphore_mem>>
        %dma_start3A_47 = tpu.memref_slice %arg3[%run_scoped3A, %add3A_25] : memref<2x3200000xi32, #tpu.memory_space<hbm>> -> memref<1x2000xi32, #tpu.memory_space<hbm>>
        %dma_start3A_48 = tpu.memref_squeeze %dma_start3A_47 : memref<1x2000xi32, #tpu.memory_space<hbm>> -> memref<2000xi32, #tpu.memory_space<hbm>>
        %dma_start3A_49 = tpu.memref_slice %arg3[%run_scoped3A, %add3A_25] : memref<2x3200000xi32, #tpu.memory_space<hbm>> -> memref<1x2000xi32, #tpu.memory_space<hbm>>
        %dma_start3A_50 = tpu.memref_squeeze %dma_start3A_49 : memref<1x2000xi32, #tpu.memory_space<hbm>> -> memref<2000xi32, #tpu.memory_space<hbm>>
        tpu.enqueue_dma source(%dma_start3A_50 : memref<2000xi32, #tpu.memory_space<hbm>>) target(%arg10 : memref<2000xi32, #tpu.memory_space<vmem>>) target_semaphore(%run_scoped3A_46 : memref<!tpu.dma_semaphore, #tpu.memory_space<semaphore_mem>>)
        %dma_wait3A_51 = tpu.memref_slice %arg3[%run_scoped3A, %add3A_25] : memref<2x3200000xi32, #tpu.memory_space<hbm>> -> memref<1x2000xi32, #tpu.memory_space<hbm>>
        %dma_wait3A_52 = tpu.memref_squeeze %dma_wait3A_51 : memref<1x2000xi32, #tpu.memory_space<hbm>> -> memref<2000xi32, #tpu.memory_space<hbm>>
        %dma_wait3A_53 = tpu.memref_slice %arg3[%run_scoped3A, %add3A_25] : memref<2x3200000xi32, #tpu.memory_space<hbm>> -> memref<1x2000xi32, #tpu.memory_space<hbm>>
        %dma_wait3A_54 = tpu.memref_squeeze %dma_wait3A_53 : memref<1x2000xi32, #tpu.memory_space<hbm>> -> memref<2000xi32, #tpu.memory_space<hbm>>
        tpu.wait_dma2 semaphore(%run_scoped3A_46 : memref<!tpu.dma_semaphore, #tpu.memory_space<semaphore_mem>>) src(%dma_wait3A_54 : memref<2000xi32, #tpu.memory_space<hbm>>) dst(%arg10 : memref<2000xi32, #tpu.memory_space<vmem>>)
        tpu.yield
      }) : () -> ()
      %run_scoped3A_26 = arith.constant 1 : i32
      "tpu.region"() ({
        %run_scoped3A_46 = tpu.sem_alloc : memref<!tpu.dma_semaphore, #tpu.memory_space<semaphore_mem>>
        %dma_start3A_47 = tpu.memref_slice %arg3[%run_scoped3A_26, %add3A_25] : memref<2x3200000xi32, #tpu.memory_space<hbm>> -> memref<1x2000xi32, #tpu.memory_space<hbm>>
        %dma_start3A_48 = tpu.memref_squeeze %dma_start3A_47 : memref<1x2000xi32, #tpu.memory_space<hbm>> -> memref<2000xi32, #tpu.memory_space<hbm>>
        %dma_start3A_49 = tpu.memref_slice %arg3[%run_scoped3A_26, %add3A_25] : memref<2x3200000xi32, #tpu.memory_space<hbm>> -> memref<1x2000xi32, #tpu.memory_space<hbm>>
        %dma_start3A_50 = tpu.memref_squeeze %dma_start3A_49 : memref<1x2000xi32, #tpu.memory_space<hbm>> -> memref<2000xi32, #tpu.memory_space<hbm>>
        tpu.enqueue_dma source(%dma_start3A_50 : memref<2000xi32, #tpu.memory_space<hbm>>) target(%arg11 : memref<2000xi32, #tpu.memory_space<vmem>>) target_semaphore(%run_scoped3A_46 : memref<!tpu.dma_semaphore, #tpu.memory_space<semaphore_mem>>)
        %dma_wait3A_51 = tpu.memref_slice %arg3[%run_scoped3A_26, %add3A_25] : memref<2x3200000xi32, #tpu.memory_space<hbm>> -> memref<1x2000xi32, #tpu.memory_space<hbm>>
        %dma_wait3A_52 = tpu.memref_squeeze %dma_wait3A_51 : memref<1x2000xi32, #tpu.memory_space<hbm>> -> memref<2000xi32, #tpu.memory_space<hbm>>
        %dma_wait3A_53 = tpu.memref_slice %arg3[%run_scoped3A_26, %add3A_25] : memref<2x3200000xi32, #tpu.memory_space<hbm>> -> memref<1x2000xi32, #tpu.memory_space<hbm>>
        %dma_wait3A_54 = tpu.memref_squeeze %dma_wait3A_53 : memref<1x2000xi32, #tpu.memory_space<hbm>> -> memref<2000xi32, #tpu.memory_space<hbm>>
        tpu.wait_dma2 semaphore(%run_scoped3A_46 : memref<!tpu.dma_semaphore, #tpu.memory_space<semaphore_mem>>) src(%dma_wait3A_54 : memref<2000xi32, #tpu.memory_space<hbm>>) dst(%arg11 : memref<2000xi32, #tpu.memory_space<vmem>>)
        tpu.yield
      }) : () -> ()
      %dma_start3A = arith.constant 0 : i32
      %dma_start3A_27 = arith.constant 0 : i32
      %dma_start3A_28 = tpu.memref_slice %arg2[%dma_start3A, %dma_start3A_27] : memref<100000x4xf32, #tpu.memory_space<hbm>> -> memref<100000x4xf32, #tpu.memory_space<hbm>>
      tpu.enqueue_indirect_dma source(%dma_start3A_28 : memref<100000x4xf32, #tpu.memory_space<hbm>>) target(%arg12 : memref<2000x4xf32, #tpu.memory_space<vmem>>) offsets(%arg10 : memref<2000xi32, #tpu.memory_space<vmem>>) semaphore(%arg22 : memref<!tpu.dma_semaphore, #tpu.memory_space<semaphore_mem>>)
      %dma_start3A_29 = arith.constant 0 : i32
      %dma_start3A_30 = arith.constant 0 : i32
      %dma_start3A_31 = tpu.memref_slice %arg2[%dma_start3A_29, %dma_start3A_30] : memref<100000x4xf32, #tpu.memory_space<hbm>> -> memref<100000x4xf32, #tpu.memory_space<hbm>>
      tpu.enqueue_indirect_dma source(%dma_start3A_31 : memref<100000x4xf32, #tpu.memory_space<hbm>>) target(%arg13 : memref<2000x4xf32, #tpu.memory_space<vmem>>) offsets(%arg11 : memref<2000xi32, #tpu.memory_space<vmem>>) semaphore(%arg22 : memref<!tpu.dma_semaphore, #tpu.memory_space<semaphore_mem>>)
      %run_scoped3A_32 = arith.constant 0 : i32
      "tpu.region"() ({
        %run_scoped3A_46 = tpu.sem_alloc : memref<!tpu.dma_semaphore, #tpu.memory_space<semaphore_mem>>
        %dma_start3A_47 = tpu.memref_slice %arg4[%run_scoped3A_32, %add3A_25] : memref<3x3200000xf32, #tpu.memory_space<hbm>> -> memref<1x2000xf32, #tpu.memory_space<hbm>>
        %dma_start3A_48 = tpu.memref_squeeze %dma_start3A_47 : memref<1x2000xf32, #tpu.memory_space<hbm>> -> memref<2000xf32, #tpu.memory_space<hbm>>
        %dma_start3A_49 = tpu.memref_slice %arg4[%run_scoped3A_32, %add3A_25] : memref<3x3200000xf32, #tpu.memory_space<hbm>> -> memref<1x2000xf32, #tpu.memory_space<hbm>>
        %dma_start3A_50 = tpu.memref_squeeze %dma_start3A_49 : memref<1x2000xf32, #tpu.memory_space<hbm>> -> memref<2000xf32, #tpu.memory_space<hbm>>
        tpu.enqueue_dma source(%dma_start3A_50 : memref<2000xf32, #tpu.memory_space<hbm>>) target(%arg14 : memref<2000xf32, #tpu.memory_space<vmem>>) target_semaphore(%run_scoped3A_46 : memref<!tpu.dma_semaphore, #tpu.memory_space<semaphore_mem>>)
        %dma_wait3A_51 = tpu.memref_slice %arg4[%run_scoped3A_32, %add3A_25] : memref<3x3200000xf32, #tpu.memory_space<hbm>> -> memref<1x2000xf32, #tpu.memory_space<hbm>>
        %dma_wait3A_52 = tpu.memref_squeeze %dma_wait3A_51 : memref<1x2000xf32, #tpu.memory_space<hbm>> -> memref<2000xf32, #tpu.memory_space<hbm>>
        %dma_wait3A_53 = tpu.memref_slice %arg4[%run_scoped3A_32, %add3A_25] : memref<3x3200000xf32, #tpu.memory_space<hbm>> -> memref<1x2000xf32, #tpu.memory_space<hbm>>
        %dma_wait3A_54 = tpu.memref_squeeze %dma_wait3A_53 : memref<1x2000xf32, #tpu.memory_space<hbm>> -> memref<2000xf32, #tpu.memory_space<hbm>>
        tpu.wait_dma2 semaphore(%run_scoped3A_46 : memref<!tpu.dma_semaphore, #tpu.memory_space<semaphore_mem>>) src(%dma_wait3A_54 : memref<2000xf32, #tpu.memory_space<hbm>>) dst(%arg14 : memref<2000xf32, #tpu.memory_space<vmem>>)
        tpu.yield
      }) : () -> ()
      %run_scoped3A_33 = arith.constant 1 : i32
      "tpu.region"() ({
        %run_scoped3A_46 = tpu.sem_alloc : memref<!tpu.dma_semaphore, #tpu.memory_space<semaphore_mem>>
        %dma_start3A_47 = tpu.memref_slice %arg4[%run_scoped3A_33, %add3A_25] : memref<3x3200000xf32, #tpu.memory_space<hbm>> -> memref<1x2000xf32, #tpu.memory_space<hbm>>
        %dma_start3A_48 = tpu.memref_squeeze %dma_start3A_47 : memref<1x2000xf32, #tpu.memory_space<hbm>> -> memref<2000xf32, #tpu.memory_space<hbm>>
        %dma_start3A_49 = tpu.memref_slice %arg4[%run_scoped3A_33, %add3A_25] : memref<3x3200000xf32, #tpu.memory_space<hbm>> -> memref<1x2000xf32, #tpu.memory_space<hbm>>
        %dma_start3A_50 = tpu.memref_squeeze %dma_start3A_49 : memref<1x2000xf32, #tpu.memory_space<hbm>> -> memref<2000xf32, #tpu.memory_space<hbm>>
        tpu.enqueue_dma source(%dma_start3A_50 : memref<2000xf32, #tpu.memory_space<hbm>>) target(%arg15 : memref<2000xf32, #tpu.memory_space<vmem>>) target_semaphore(%run_scoped3A_46 : memref<!tpu.dma_semaphore, #tpu.memory_space<semaphore_mem>>)
        %dma_wait3A_51 = tpu.memref_slice %arg4[%run_scoped3A_33, %add3A_25] : memref<3x3200000xf32, #tpu.memory_space<hbm>> -> memref<1x2000xf32, #tpu.memory_space<hbm>>
        %dma_wait3A_52 = tpu.memref_squeeze %dma_wait3A_51 : memref<1x2000xf32, #tpu.memory_space<hbm>> -> memref<2000xf32, #tpu.memory_space<hbm>>
        %dma_wait3A_53 = tpu.memref_slice %arg4[%run_scoped3A_33, %add3A_25] : memref<3x3200000xf32, #tpu.memory_space<hbm>> -> memref<1x2000xf32, #tpu.memory_space<hbm>>
        %dma_wait3A_54 = tpu.memref_squeeze %dma_wait3A_53 : memref<1x2000xf32, #tpu.memory_space<hbm>> -> memref<2000xf32, #tpu.memory_space<hbm>>
        tpu.wait_dma2 semaphore(%run_scoped3A_46 : memref<!tpu.dma_semaphore, #tpu.memory_space<semaphore_mem>>) src(%dma_wait3A_54 : memref<2000xf32, #tpu.memory_space<hbm>>) dst(%arg15 : memref<2000xf32, #tpu.memory_space<vmem>>)
        tpu.yield
      }) : () -> ()
      %run_scoped3A_34 = arith.constant 2 : i32
      "tpu.region"() ({
        %run_scoped3A_46 = tpu.sem_alloc : memref<!tpu.dma_semaphore, #tpu.memory_space<semaphore_mem>>
        %dma_start3A_47 = tpu.memref_slice %arg4[%run_scoped3A_34, %add3A_25] : memref<3x3200000xf32, #tpu.memory_space<hbm>> -> memref<1x2000xf32, #tpu.memory_space<hbm>>
        %dma_start3A_48 = tpu.memref_squeeze %dma_start3A_47 : memref<1x2000xf32, #tpu.memory_space<hbm>> -> memref<2000xf32, #tpu.memory_space<hbm>>
        %dma_start3A_49 = tpu.memref_slice %arg4[%run_scoped3A_34, %add3A_25] : memref<3x3200000xf32, #tpu.memory_space<hbm>> -> memref<1x2000xf32, #tpu.memory_space<hbm>>
        %dma_start3A_50 = tpu.memref_squeeze %dma_start3A_49 : memref<1x2000xf32, #tpu.memory_space<hbm>> -> memref<2000xf32, #tpu.memory_space<hbm>>
        tpu.enqueue_dma source(%dma_start3A_50 : memref<2000xf32, #tpu.memory_space<hbm>>) target(%arg16 : memref<2000xf32, #tpu.memory_space<vmem>>) target_semaphore(%run_scoped3A_46 : memref<!tpu.dma_semaphore, #tpu.memory_space<semaphore_mem>>)
        %dma_wait3A_51 = tpu.memref_slice %arg4[%run_scoped3A_34, %add3A_25] : memref<3x3200000xf32, #tpu.memory_space<hbm>> -> memref<1x2000xf32, #tpu.memory_space<hbm>>
        %dma_wait3A_52 = tpu.memref_squeeze %dma_wait3A_51 : memref<1x2000xf32, #tpu.memory_space<hbm>> -> memref<2000xf32, #tpu.memory_space<hbm>>
        %dma_wait3A_53 = tpu.memref_slice %arg4[%run_scoped3A_34, %add3A_25] : memref<3x3200000xf32, #tpu.memory_space<hbm>> -> memref<1x2000xf32, #tpu.memory_space<hbm>>
        %dma_wait3A_54 = tpu.memref_squeeze %dma_wait3A_53 : memref<1x2000xf32, #tpu.memory_space<hbm>> -> memref<2000xf32, #tpu.memory_space<hbm>>
        tpu.wait_dma2 semaphore(%run_scoped3A_46 : memref<!tpu.dma_semaphore, #tpu.memory_space<semaphore_mem>>) src(%dma_wait3A_54 : memref<2000xf32, #tpu.memory_space<hbm>>) dst(%arg16 : memref<2000xf32, #tpu.memory_space<vmem>>)
        tpu.yield
      }) : () -> ()
      %dma_wait3A = arith.constant 0 : i32
      %dma_wait3A_35 = arith.constant 0 : i32
      %dma_wait3A_36 = tpu.memref_slice %arg2[%dma_wait3A, %dma_wait3A_35] : memref<100000x4xf32, #tpu.memory_space<hbm>> -> memref<100000x4xf32, #tpu.memory_space<hbm>>
      tpu.wait_indirect_dma semaphore(%arg22 : memref<!tpu.dma_semaphore, #tpu.memory_space<semaphore_mem>>) src(%dma_wait3A_36 : memref<100000x4xf32, #tpu.memory_space<hbm>>) dst(%arg12 : memref<2000x4xf32, #tpu.memory_space<vmem>>)
      %dma_wait3A_37 = arith.constant 0 : i32
      %dma_wait3A_38 = arith.constant 0 : i32
      %dma_wait3A_39 = tpu.memref_slice %arg2[%dma_wait3A_37, %dma_wait3A_38] : memref<100000x4xf32, #tpu.memory_space<hbm>> -> memref<100000x4xf32, #tpu.memory_space<hbm>>
      tpu.wait_indirect_dma semaphore(%arg22 : memref<!tpu.dma_semaphore, #tpu.memory_space<semaphore_mem>>) src(%dma_wait3A_39 : memref<100000x4xf32, #tpu.memory_space<hbm>>) dst(%arg13 : memref<2000x4xf32, #tpu.memory_space<vmem>>)
      %scan3A_40 = arith.constant 0 : i32
      %scan3A_41 = arith.constant 0 : i32
      %scan3A_42 = arith.constant 125 : i32
      %scan3A_43 = arith.addi %scan3A_41, %scan3A_42 : i32
      %scan3A_44 = arith.constant 1 : i32
      scf.for %scan3A_46 = %scan3A_41 to %scan3A_43 step %scan3A_44  : i32 {
        %mul3A_47 = arith.constant 16 : i32
        %mul3A_48 = arith.muli %mul3A_47, %scan3A_46 : i32
        %add3A_49 = vector.broadcast %mul3A_48 : i32 to vector<16xi32>
        %add3A_50 = arith.addi %add3A_49, %iota3A : vector<16xi32>
        %mul3A_51 = arith.constant 16 : i32
        %mul3A_52 = arith.muli %mul3A_51, %scan3A_46 : i32
        %add3A_53 = arith.constant 0 : i32
        %add3A_54 = vector.broadcast %add3A_53 : i32 to vector<16xi32>
        %add3A_55 = arith.addi %mul3A_14, %add3A_54 : vector<16xi32>
        %gather3A = tpu.vector_load_idx %arg12[%add3A_50, %add3A_55] : memref<2000x4xf32, #tpu.memory_space<vmem>>[vector<16xi32>, vector<16xi32>], vector<16xf32>,
        %gather3A_56 = tpu.vector_load_idx %arg13[%add3A_50, %add3A_55] : memref<2000x4xf32, #tpu.memory_space<vmem>>[vector<16xi32>, vector<16xi32>], vector<16xf32>,
        %get3A_57 = arith.index_cast %mul3A_52 : i32 to index
        %get3A_58 = tpu.vector_load %arg14[%get3A_57] {strides = array<i32>} : memref<2000xf32, #tpu.memory_space<vmem>>, vector<16xf32>,
        %sub3A = arith.subf %gather3A, %gather3A_56 : vector<16xf32>
        %mul3A_59 = arith.mulf %get3A_58, %get3A_3 : vector<16xf32>
        %sub3A_60 = arith.subf %sub3A, %mul3A_59 : vector<16xf32>
        %mul3A_61 = arith.mulf %sub3A_60, %sub3A_60 : vector<16xf32>
        %mul3A_62 = arith.mulf %get3A_58, %sub3A_60 : vector<16xf32>
        %add3A_63 = arith.constant 1 : i32
        %add3A_64 = vector.broadcast %add3A_63 : i32 to vector<16xi32>
        %add3A_65 = arith.addi %mul3A_14, %add3A_64 : vector<16xi32>
        %gather3A_66 = tpu.vector_load_idx %arg12[%add3A_50, %add3A_65] : memref<2000x4xf32, #tpu.memory_space<vmem>>[vector<16xi32>, vector<16xi32>], vector<16xf32>,
        %gather3A_67 = tpu.vector_load_idx %arg13[%add3A_50, %add3A_65] : memref<2000x4xf32, #tpu.memory_space<vmem>>[vector<16xi32>, vector<16xi32>], vector<16xf32>,
        %get3A_68 = arith.index_cast %mul3A_52 : i32 to index
        %get3A_69 = tpu.vector_load %arg15[%get3A_68] {strides = array<i32>} : memref<2000xf32, #tpu.memory_space<vmem>>, vector<16xf32>,
        %sub3A_70 = arith.subf %gather3A_66, %gather3A_67 : vector<16xf32>
        %mul3A_71 = arith.mulf %get3A_69, %get3A_7 : vector<16xf32>
        %sub3A_72 = arith.subf %sub3A_70, %mul3A_71 : vector<16xf32>
        %mul3A_73 = arith.mulf %sub3A_72, %sub3A_72 : vector<16xf32>
        %add3A_74 = arith.addf %mul3A_61, %mul3A_73 : vector<16xf32>
        %mul3A_75 = arith.mulf %get3A_69, %sub3A_72 : vector<16xf32>
        %add3A_76 = arith.constant 2 : i32
        %add3A_77 = vector.broadcast %add3A_76 : i32 to vector<16xi32>
        %add3A_78 = arith.addi %mul3A_14, %add3A_77 : vector<16xi32>
        %gather3A_79 = tpu.vector_load_idx %arg12[%add3A_50, %add3A_78] : memref<2000x4xf32, #tpu.memory_space<vmem>>[vector<16xi32>, vector<16xi32>], vector<16xf32>,
        %gather3A_80 = tpu.vector_load_idx %arg13[%add3A_50, %add3A_78] : memref<2000x4xf32, #tpu.memory_space<vmem>>[vector<16xi32>, vector<16xi32>], vector<16xf32>,
        %get3A_81 = arith.index_cast %mul3A_52 : i32 to index
        %get3A_82 = tpu.vector_load %arg16[%get3A_81] {strides = array<i32>} : memref<2000xf32, #tpu.memory_space<vmem>>, vector<16xf32>,
        %sub3A_83 = arith.subf %gather3A_79, %gather3A_80 : vector<16xf32>
        %mul3A_84 = arith.mulf %get3A_82, %get3A_11 : vector<16xf32>
        %sub3A_85 = arith.subf %sub3A_83, %mul3A_84 : vector<16xf32>
        %mul3A_86 = arith.mulf %sub3A_85, %sub3A_85 : vector<16xf32>
        %add3A_87 = arith.addf %add3A_74, %mul3A_86 : vector<16xf32>
        %mul3A_88 = arith.mulf %get3A_82, %sub3A_85 : vector<16xf32>
        %swap3A = arith.index_cast %mul3A_52 : i32 to index
        %swap3A_89 = tpu.vector_load %arg17[%swap3A] {strides = array<i32>} : memref<2000xf32, #tpu.memory_space<vmem>>, vector<16xf32>,
        tpu.vector_store %arg17[%swap3A], %add3A_87 {strides = array<i32>} : memref<2000xf32, #tpu.memory_space<vmem>>, vector<16xf32>,
        %swap3A_90 = arith.index_cast %mul3A_52 : i32 to index
        %swap3A_91 = tpu.vector_load %arg18[%swap3A_90] {strides = array<i32>} : memref<2000xf32, #tpu.memory_space<vmem>>, vector<16xf32>,
        tpu.vector_store %arg18[%swap3A_90], %mul3A_62 {strides = array<i32>} : memref<2000xf32, #tpu.memory_space<vmem>>, vector<16xf32>,
        %swap3A_92 = arith.index_cast %mul3A_52 : i32 to index
        %swap3A_93 = tpu.vector_load %arg19[%swap3A_92] {strides = array<i32>} : memref<2000xf32, #tpu.memory_space<vmem>>, vector<16xf32>,
        tpu.vector_store %arg19[%swap3A_92], %mul3A_75 {strides = array<i32>} : memref<2000xf32, #tpu.memory_space<vmem>>, vector<16xf32>,
        %swap3A_94 = arith.index_cast %mul3A_52 : i32 to index
        %swap3A_95 = tpu.vector_load %arg20[%swap3A_94] {strides = array<i32>} : memref<2000xf32, #tpu.memory_space<vmem>>, vector<16xf32>,
        tpu.vector_store %arg20[%swap3A_94], %mul3A_88 {strides = array<i32>} : memref<2000xf32, #tpu.memory_space<vmem>>, vector<16xf32>,
      }
      %scan3A_45 = arith.constant 125 : i32
      "tpu.region"() ({
        %run_scoped3A_46 = tpu.sem_alloc : memref<!tpu.dma_semaphore, #tpu.memory_space<semaphore_mem>>
        %dma_start3A_47 = tpu.memref_slice %arg6[%add3A_25] : memref<3200000xf32, #tpu.memory_space<hbm>> -> memref<2000xf32, #tpu.memory_space<hbm>>
        %dma_start3A_48 = tpu.memref_slice %arg6[%add3A_25] : memref<3200000xf32, #tpu.memory_space<hbm>> -> memref<2000xf32, #tpu.memory_space<hbm>>
        tpu.enqueue_dma source(%arg17 : memref<2000xf32, #tpu.memory_space<vmem>>) target(%dma_start3A_48 : memref<2000xf32, #tpu.memory_space<hbm>>) target_semaphore(%run_scoped3A_46 : memref<!tpu.dma_semaphore, #tpu.memory_space<semaphore_mem>>)
        %dma_wait3A_49 = tpu.memref_slice %arg6[%add3A_25] : memref<3200000xf32, #tpu.memory_space<hbm>> -> memref<2000xf32, #tpu.memory_space<hbm>>
        %dma_wait3A_50 = tpu.memref_slice %arg6[%add3A_25] : memref<3200000xf32, #tpu.memory_space<hbm>> -> memref<2000xf32, #tpu.memory_space<hbm>>
        tpu.wait_dma2 semaphore(%run_scoped3A_46 : memref<!tpu.dma_semaphore, #tpu.memory_space<semaphore_mem>>) src(%arg17 : memref<2000xf32, #tpu.memory_space<vmem>>) dst(%dma_wait3A_50 : memref<2000xf32, #tpu.memory_space<hbm>>)
        tpu.yield
      }) : () -> ()
      "tpu.region"() ({
        %run_scoped3A_46 = tpu.sem_alloc : memref<!tpu.dma_semaphore, #tpu.memory_space<semaphore_mem>>
        %dma_start3A_47 = tpu.memref_slice %arg7[%add3A_25] : memref<3200000xf32, #tpu.memory_space<hbm>> -> memref<2000xf32, #tpu.memory_space<hbm>>
        %dma_start3A_48 = tpu.memref_slice %arg7[%add3A_25] : memref<3200000xf32, #tpu.memory_space<hbm>> -> memref<2000xf32, #tpu.memory_space<hbm>>
        tpu.enqueue_dma source(%arg18 : memref<2000xf32, #tpu.memory_space<vmem>>) target(%dma_start3A_48 : memref<2000xf32, #tpu.memory_space<hbm>>) target_semaphore(%run_scoped3A_46 : memref<!tpu.dma_semaphore, #tpu.memory_space<semaphore_mem>>)
        %dma_wait3A_49 = tpu.memref_slice %arg7[%add3A_25] : memref<3200000xf32, #tpu.memory_space<hbm>> -> memref<2000xf32, #tpu.memory_space<hbm>>
        %dma_wait3A_50 = tpu.memref_slice %arg7[%add3A_25] : memref<3200000xf32, #tpu.memory_space<hbm>> -> memref<2000xf32, #tpu.memory_space<hbm>>
        tpu.wait_dma2 semaphore(%run_scoped3A_46 : memref<!tpu.dma_semaphore, #tpu.memory_space<semaphore_mem>>) src(%arg18 : memref<2000xf32, #tpu.memory_space<vmem>>) dst(%dma_wait3A_50 : memref<2000xf32, #tpu.memory_space<hbm>>)
        tpu.yield
      }) : () -> ()
      "tpu.region"() ({
        %run_scoped3A_46 = tpu.sem_alloc : memref<!tpu.dma_semaphore, #tpu.memory_space<semaphore_mem>>
        %dma_start3A_47 = tpu.memref_slice %arg8[%add3A_25] : memref<3200000xf32, #tpu.memory_space<hbm>> -> memref<2000xf32, #tpu.memory_space<hbm>>
        %dma_start3A_48 = tpu.memref_slice %arg8[%add3A_25] : memref<3200000xf32, #tpu.memory_space<hbm>> -> memref<2000xf32, #tpu.memory_space<hbm>>
        tpu.enqueue_dma source(%arg19 : memref<2000xf32, #tpu.memory_space<vmem>>) target(%dma_start3A_48 : memref<2000xf32, #tpu.memory_space<hbm>>) target_semaphore(%run_scoped3A_46 : memref<!tpu.dma_semaphore, #tpu.memory_space<semaphore_mem>>)
        %dma_wait3A_49 = tpu.memref_slice %arg8[%add3A_25] : memref<3200000xf32, #tpu.memory_space<hbm>> -> memref<2000xf32, #tpu.memory_space<hbm>>
        %dma_wait3A_50 = tpu.memref_slice %arg8[%add3A_25] : memref<3200000xf32, #tpu.memory_space<hbm>> -> memref<2000xf32, #tpu.memory_space<hbm>>
        tpu.wait_dma2 semaphore(%run_scoped3A_46 : memref<!tpu.dma_semaphore, #tpu.memory_space<semaphore_mem>>) src(%arg19 : memref<2000xf32, #tpu.memory_space<vmem>>) dst(%dma_wait3A_50 : memref<2000xf32, #tpu.memory_space<hbm>>)
        tpu.yield
      }) : () -> ()
      "tpu.region"() ({
        %run_scoped3A_46 = tpu.sem_alloc : memref<!tpu.dma_semaphore, #tpu.memory_space<semaphore_mem>>
        %dma_start3A_47 = tpu.memref_slice %arg9[%add3A_25] : memref<3200000xf32, #tpu.memory_space<hbm>> -> memref<2000xf32, #tpu.memory_space<hbm>>
        %dma_start3A_48 = tpu.memref_slice %arg9[%add3A_25] : memref<3200000xf32, #tpu.memory_space<hbm>> -> memref<2000xf32, #tpu.memory_space<hbm>>
        tpu.enqueue_dma source(%arg20 : memref<2000xf32, #tpu.memory_space<vmem>>) target(%dma_start3A_48 : memref<2000xf32, #tpu.memory_space<hbm>>) target_semaphore(%run_scoped3A_46 : memref<!tpu.dma_semaphore, #tpu.memory_space<semaphore_mem>>)
        %dma_wait3A_49 = tpu.memref_slice %arg9[%add3A_25] : memref<3200000xf32, #tpu.memory_space<hbm>> -> memref<2000xf32, #tpu.memory_space<hbm>>
        %dma_wait3A_50 = tpu.memref_slice %arg9[%add3A_25] : memref<3200000xf32, #tpu.memory_space<hbm>> -> memref<2000xf32, #tpu.memory_space<hbm>>
        tpu.wait_dma2 semaphore(%run_scoped3A_46 : memref<!tpu.dma_semaphore, #tpu.memory_space<semaphore_mem>>) src(%arg20 : memref<2000xf32, #tpu.memory_space<vmem>>) dst(%dma_wait3A_50 : memref<2000xf32, #tpu.memory_space<hbm>>)
        tpu.yield
      }) : () -> ()
    }
    %scan3A_19 = arith.constant 50 : i32
    return
  }
}

module attributes {stable_mosaic.version = 14 : i64} {
  func.func @_tc_body(%arg0: i32, %arg1: memref<25600xf32, #tpu.memory_space<vmem>>, %arg2: memref<25600xf32, #tpu.memory_space<vmem>>, %arg3: memref<25600xf32, #tpu.memory_space<vmem>>, %arg4: memref<25600xf32, #tpu.memory_space<vmem>>, %arg5: memref<64xf32, #tpu.memory_space<smem>>, %arg6: memref<64xf32, #tpu.memory_space<smem>>, %arg7: memref<64xf32, #tpu.memory_space<smem>>, %arg8: memref<3xf32, #tpu.memory_space<smem>>, %arg9: memref<3125x128xf32, #tpu.memory_space<vmem>>, %arg10: memref<3125x128xf32, #tpu.memory_space<vmem>>, %arg11: memref<3xf32, #tpu.memory_space<smem>>, %arg12: memref<4xf32, #tpu.memory_space<smem>>) attributes {dimension_semantics = [#tpu.dimension_semantics<arbitrary>], iteration_bounds = array<i64: 125>, scalar_prefetch = 0 : i64, scratch_operands = 1 : i64, tpu.core_type = #tpu.core_type<tc>, window_params = [{transform_indices = @transform_0, window_bounds = array<i64: 25600>}, {transform_indices = @transform_1, window_bounds = array<i64: 25600>}, {transform_indices = @transform_2, window_bounds = array<i64: 25600>}, {transform_indices = @transform_3, window_bounds = array<i64: 25600>}, {transform_indices = @transform_4, window_bounds = array<i64: 64>}, {transform_indices = @transform_5, window_bounds = array<i64: 64>}, {transform_indices = @transform_6, window_bounds = array<i64: 64>}, {transform_indices = @transform_7, window_bounds = array<i64: 3>}, {pipeline_mode = #tpu.pipeline_mode<synchronous>, transform_indices = @transform_8, window_bounds = array<i64: 3125, 128>}, {pipeline_mode = #tpu.pipeline_mode<synchronous>, transform_indices = @transform_9, window_bounds = array<i64: 3125, 128>}, {transform_indices = @transform_10, window_bounds = array<i64: 3>}]} {
    %eq3A = arith.constant 0 : i32
    %eq3A_0 = arith.cmpi eq, %arg0, %eq3A : i32
    %convert_element_type3A = arith.extui %eq3A_0 : i1 to i32
    %cond3A = arith.constant 0 : i32
    %cond3A_1 = arith.cmpi ne, %convert_element_type3A, %cond3A : i32
    scf.if %cond3A_1 {
      %get3A_1137 = arith.constant 0 : index
      %get3A_1138 = arith.constant 0 : index
      %get3A_1139 = vector.load %arg9[%get3A_1137, %get3A_1138] : memref<3125x128xf32, #tpu.memory_space<vmem>>, vector<3125x128xf32>
      %get3A_1140 = arith.constant 0 : index
      %get3A_1141 = arith.constant 0 : index
      %get3A_1142 = vector.load %arg9[%get3A_1140, %get3A_1141] : memref<3125x128xf32, #tpu.memory_space<vmem>>, vector<3125x128xf32>
      %mul3A_1143 = arith.mulf %get3A_1139, %get3A_1142 : vector<3125x128xf32>
      %get3A_1144 = arith.constant 0 : index
      %get3A_1145 = arith.constant 0 : index
      %get3A_1146 = vector.load %arg10[%get3A_1144, %get3A_1145] : memref<3125x128xf32, #tpu.memory_space<vmem>>, vector<3125x128xf32>
      %mul3A_1147 = arith.mulf %mul3A_1143, %get3A_1146 : vector<3125x128xf32>
      %reduce_sum3A_1148 = vector.shape_cast %mul3A_1147 : vector<3125x128xf32> to vector<1x3125x128xf32>
      %reduce_sum3A_1149 = arith.constant dense<0.000000e+00> : vector<1xf32>
      %reduce_sum3A_1150 = vector.multi_reduction <add>, %reduce_sum3A_1148, %reduce_sum3A_1149 [1, 2] : vector<1x3125x128xf32> to vector<1xf32>
      %reduce_sum3A_1151 = vector.shape_cast %reduce_sum3A_1150 : vector<1xf32> to vector<1x1x1xf32>
      %reduce_sum3A_1152 = vector.extract %reduce_sum3A_1151[0, 0, 0] : f32 from vector<1x1x1xf32>
      %mul3A_1153 = arith.constant 5.000000e-01 : f32
      %mul3A_1154 = arith.mulf %mul3A_1153, %reduce_sum3A_1152 : f32
      %swap3A_1155 = arith.constant 0 : index
      %swap3A_1156 = memref.load %arg12[%swap3A_1155] : memref<4xf32, #tpu.memory_space<smem>>
      memref.store %mul3A_1154, %arg12[%swap3A_1155] : memref<4xf32, #tpu.memory_space<smem>>
      %swap3A_1157 = arith.constant 0.000000e+00 : f32
      %swap3A_1158 = arith.constant 1 : index
      %swap3A_1159 = memref.load %arg12[%swap3A_1158] : memref<4xf32, #tpu.memory_space<smem>>
      memref.store %swap3A_1157, %arg12[%swap3A_1158] : memref<4xf32, #tpu.memory_space<smem>>
      %swap3A_1160 = arith.constant 0.000000e+00 : f32
      %swap3A_1161 = arith.constant 2 : index
      %swap3A_1162 = memref.load %arg12[%swap3A_1161] : memref<4xf32, #tpu.memory_space<smem>>
      memref.store %swap3A_1160, %arg12[%swap3A_1161] : memref<4xf32, #tpu.memory_space<smem>>
      %swap3A_1163 = arith.constant 0.000000e+00 : f32
      %swap3A_1164 = arith.constant 3 : index
      %swap3A_1165 = memref.load %arg12[%swap3A_1164] : memref<4xf32, #tpu.memory_space<smem>>
      memref.store %swap3A_1163, %arg12[%swap3A_1164] : memref<4xf32, #tpu.memory_space<smem>>
    } else {
    }
    %get3A = arith.constant 0 : index
    %get3A_2 = vector.load %arg1[%get3A] : memref<25600xf32, #tpu.memory_space<vmem>>, vector<25600xf32>
    %add3A = arith.constant 9.99999996E-13 : f32
    %add3A_3 = vector.broadcast %add3A : f32 to vector<25600xf32>
    %add3A_4 = arith.addf %get3A_2, %add3A_3 : vector<25600xf32>
    %rsqrt3A = math.rsqrt %add3A_4 : vector<25600xf32>
    %add3A_5 = arith.constant 9.99999996E-13 : f32
    %add3A_6 = vector.broadcast %add3A_5 : f32 to vector<25600xf32>
    %add3A_7 = arith.addf %get3A_2, %add3A_6 : vector<25600xf32>
    %mul3A = arith.mulf %add3A_7, %rsqrt3A : vector<25600xf32>
    %get3A_8 = arith.constant 0 : index
    %get3A_9 = memref.load %arg5[%get3A_8] : memref<64xf32, #tpu.memory_space<smem>>
    %get3A_10 = arith.constant 0 : index
    %get3A_11 = memref.load %arg7[%get3A_10] : memref<64xf32, #tpu.memory_space<smem>>
    %mul3A_12 = arith.mulf %get3A_9, %get3A_11 : f32
    %mul3A_13 = vector.broadcast %get3A_9 : f32 to vector<25600xf32>
    %mul3A_14 = arith.mulf %mul3A, %mul3A_13 : vector<25600xf32>
    %get3A_15 = arith.constant 0 : index
    %get3A_16 = memref.load %arg6[%get3A_15] : memref<64xf32, #tpu.memory_space<smem>>
    %add3A_17 = vector.broadcast %get3A_16 : f32 to vector<25600xf32>
    %add3A_18 = arith.addf %mul3A_14, %add3A_17 : vector<25600xf32>
    %tanh3A = math.tanh %add3A_18 : vector<25600xf32>
    %mul3A_19 = arith.mulf %tanh3A, %tanh3A : vector<25600xf32>
    %mul3A_20 = vector.broadcast %mul3A_12 : f32 to vector<25600xf32>
    %mul3A_21 = arith.mulf %mul3A_20, %mul3A_19 : vector<25600xf32>
    %get3A_22 = arith.constant 1 : index
    %get3A_23 = memref.load %arg5[%get3A_22] : memref<64xf32, #tpu.memory_space<smem>>
    %get3A_24 = arith.constant 1 : index
    %get3A_25 = memref.load %arg7[%get3A_24] : memref<64xf32, #tpu.memory_space<smem>>
    %mul3A_26 = arith.mulf %get3A_23, %get3A_25 : f32
    %mul3A_27 = vector.broadcast %get3A_23 : f32 to vector<25600xf32>
    %mul3A_28 = arith.mulf %mul3A, %mul3A_27 : vector<25600xf32>
    %get3A_29 = arith.constant 1 : index
    %get3A_30 = memref.load %arg6[%get3A_29] : memref<64xf32, #tpu.memory_space<smem>>
    %add3A_31 = vector.broadcast %get3A_30 : f32 to vector<25600xf32>
    %add3A_32 = arith.addf %mul3A_28, %add3A_31 : vector<25600xf32>
    %tanh3A_33 = math.tanh %add3A_32 : vector<25600xf32>
    %mul3A_34 = arith.mulf %tanh3A_33, %tanh3A_33 : vector<25600xf32>
    %mul3A_35 = vector.broadcast %mul3A_26 : f32 to vector<25600xf32>
    %mul3A_36 = arith.mulf %mul3A_35, %mul3A_34 : vector<25600xf32>
    %add3A_37 = arith.addf %mul3A_21, %mul3A_36 : vector<25600xf32>
    %add3A_38 = arith.addf %mul3A_12, %mul3A_26 : f32
    %get3A_39 = arith.constant 2 : index
    %get3A_40 = memref.load %arg5[%get3A_39] : memref<64xf32, #tpu.memory_space<smem>>
    %get3A_41 = arith.constant 2 : index
    %get3A_42 = memref.load %arg7[%get3A_41] : memref<64xf32, #tpu.memory_space<smem>>
    %mul3A_43 = arith.mulf %get3A_40, %get3A_42 : f32
    %mul3A_44 = vector.broadcast %get3A_40 : f32 to vector<25600xf32>
    %mul3A_45 = arith.mulf %mul3A, %mul3A_44 : vector<25600xf32>
    %get3A_46 = arith.constant 2 : index
    %get3A_47 = memref.load %arg6[%get3A_46] : memref<64xf32, #tpu.memory_space<smem>>
    %add3A_48 = vector.broadcast %get3A_47 : f32 to vector<25600xf32>
    %add3A_49 = arith.addf %mul3A_45, %add3A_48 : vector<25600xf32>
    %tanh3A_50 = math.tanh %add3A_49 : vector<25600xf32>
    %mul3A_51 = arith.mulf %tanh3A_50, %tanh3A_50 : vector<25600xf32>
    %mul3A_52 = vector.broadcast %mul3A_43 : f32 to vector<25600xf32>
    %mul3A_53 = arith.mulf %mul3A_52, %mul3A_51 : vector<25600xf32>
    %add3A_54 = arith.addf %add3A_37, %mul3A_53 : vector<25600xf32>
    %add3A_55 = arith.addf %add3A_38, %mul3A_43 : f32
    %get3A_56 = arith.constant 3 : index
    %get3A_57 = memref.load %arg5[%get3A_56] : memref<64xf32, #tpu.memory_space<smem>>
    %get3A_58 = arith.constant 3 : index
    %get3A_59 = memref.load %arg7[%get3A_58] : memref<64xf32, #tpu.memory_space<smem>>
    %mul3A_60 = arith.mulf %get3A_57, %get3A_59 : f32
    %mul3A_61 = vector.broadcast %get3A_57 : f32 to vector<25600xf32>
    %mul3A_62 = arith.mulf %mul3A, %mul3A_61 : vector<25600xf32>
    %get3A_63 = arith.constant 3 : index
    %get3A_64 = memref.load %arg6[%get3A_63] : memref<64xf32, #tpu.memory_space<smem>>
    %add3A_65 = vector.broadcast %get3A_64 : f32 to vector<25600xf32>
    %add3A_66 = arith.addf %mul3A_62, %add3A_65 : vector<25600xf32>
    %tanh3A_67 = math.tanh %add3A_66 : vector<25600xf32>
    %mul3A_68 = arith.mulf %tanh3A_67, %tanh3A_67 : vector<25600xf32>
    %mul3A_69 = vector.broadcast %mul3A_60 : f32 to vector<25600xf32>
    %mul3A_70 = arith.mulf %mul3A_69, %mul3A_68 : vector<25600xf32>
    %add3A_71 = arith.addf %add3A_54, %mul3A_70 : vector<25600xf32>
    %add3A_72 = arith.addf %add3A_55, %mul3A_60 : f32
    %get3A_73 = arith.constant 4 : index
    %get3A_74 = memref.load %arg5[%get3A_73] : memref<64xf32, #tpu.memory_space<smem>>
    %get3A_75 = arith.constant 4 : index
    %get3A_76 = memref.load %arg7[%get3A_75] : memref<64xf32, #tpu.memory_space<smem>>
    %mul3A_77 = arith.mulf %get3A_74, %get3A_76 : f32
    %mul3A_78 = vector.broadcast %get3A_74 : f32 to vector<25600xf32>
    %mul3A_79 = arith.mulf %mul3A, %mul3A_78 : vector<25600xf32>
    %get3A_80 = arith.constant 4 : index
    %get3A_81 = memref.load %arg6[%get3A_80] : memref<64xf32, #tpu.memory_space<smem>>
    %add3A_82 = vector.broadcast %get3A_81 : f32 to vector<25600xf32>
    %add3A_83 = arith.addf %mul3A_79, %add3A_82 : vector<25600xf32>
    %tanh3A_84 = math.tanh %add3A_83 : vector<25600xf32>
    %mul3A_85 = arith.mulf %tanh3A_84, %tanh3A_84 : vector<25600xf32>
    %mul3A_86 = vector.broadcast %mul3A_77 : f32 to vector<25600xf32>
    %mul3A_87 = arith.mulf %mul3A_86, %mul3A_85 : vector<25600xf32>
    %add3A_88 = arith.addf %add3A_71, %mul3A_87 : vector<25600xf32>
    %add3A_89 = arith.addf %add3A_72, %mul3A_77 : f32
    %get3A_90 = arith.constant 5 : index
    %get3A_91 = memref.load %arg5[%get3A_90] : memref<64xf32, #tpu.memory_space<smem>>
    %get3A_92 = arith.constant 5 : index
    %get3A_93 = memref.load %arg7[%get3A_92] : memref<64xf32, #tpu.memory_space<smem>>
    %mul3A_94 = arith.mulf %get3A_91, %get3A_93 : f32
    %mul3A_95 = vector.broadcast %get3A_91 : f32 to vector<25600xf32>
    %mul3A_96 = arith.mulf %mul3A, %mul3A_95 : vector<25600xf32>
    %get3A_97 = arith.constant 5 : index
    %get3A_98 = memref.load %arg6[%get3A_97] : memref<64xf32, #tpu.memory_space<smem>>
    %add3A_99 = vector.broadcast %get3A_98 : f32 to vector<25600xf32>
    %add3A_100 = arith.addf %mul3A_96, %add3A_99 : vector<25600xf32>
    %tanh3A_101 = math.tanh %add3A_100 : vector<25600xf32>
    %mul3A_102 = arith.mulf %tanh3A_101, %tanh3A_101 : vector<25600xf32>
    %mul3A_103 = vector.broadcast %mul3A_94 : f32 to vector<25600xf32>
    %mul3A_104 = arith.mulf %mul3A_103, %mul3A_102 : vector<25600xf32>
    %add3A_105 = arith.addf %add3A_88, %mul3A_104 : vector<25600xf32>
    %add3A_106 = arith.addf %add3A_89, %mul3A_94 : f32
    %get3A_107 = arith.constant 6 : index
    %get3A_108 = memref.load %arg5[%get3A_107] : memref<64xf32, #tpu.memory_space<smem>>
    %get3A_109 = arith.constant 6 : index
    %get3A_110 = memref.load %arg7[%get3A_109] : memref<64xf32, #tpu.memory_space<smem>>
    %mul3A_111 = arith.mulf %get3A_108, %get3A_110 : f32
    %mul3A_112 = vector.broadcast %get3A_108 : f32 to vector<25600xf32>
    %mul3A_113 = arith.mulf %mul3A, %mul3A_112 : vector<25600xf32>
    %get3A_114 = arith.constant 6 : index
    %get3A_115 = memref.load %arg6[%get3A_114] : memref<64xf32, #tpu.memory_space<smem>>
    %add3A_116 = vector.broadcast %get3A_115 : f32 to vector<25600xf32>
    %add3A_117 = arith.addf %mul3A_113, %add3A_116 : vector<25600xf32>
    %tanh3A_118 = math.tanh %add3A_117 : vector<25600xf32>
    %mul3A_119 = arith.mulf %tanh3A_118, %tanh3A_118 : vector<25600xf32>
    %mul3A_120 = vector.broadcast %mul3A_111 : f32 to vector<25600xf32>
    %mul3A_121 = arith.mulf %mul3A_120, %mul3A_119 : vector<25600xf32>
    %add3A_122 = arith.addf %add3A_105, %mul3A_121 : vector<25600xf32>
    %add3A_123 = arith.addf %add3A_106, %mul3A_111 : f32
    %get3A_124 = arith.constant 7 : index
    %get3A_125 = memref.load %arg5[%get3A_124] : memref<64xf32, #tpu.memory_space<smem>>
    %get3A_126 = arith.constant 7 : index
    %get3A_127 = memref.load %arg7[%get3A_126] : memref<64xf32, #tpu.memory_space<smem>>
    %mul3A_128 = arith.mulf %get3A_125, %get3A_127 : f32
    %mul3A_129 = vector.broadcast %get3A_125 : f32 to vector<25600xf32>
    %mul3A_130 = arith.mulf %mul3A, %mul3A_129 : vector<25600xf32>
    %get3A_131 = arith.constant 7 : index
    %get3A_132 = memref.load %arg6[%get3A_131] : memref<64xf32, #tpu.memory_space<smem>>
    %add3A_133 = vector.broadcast %get3A_132 : f32 to vector<25600xf32>
    %add3A_134 = arith.addf %mul3A_130, %add3A_133 : vector<25600xf32>
    %tanh3A_135 = math.tanh %add3A_134 : vector<25600xf32>
    %mul3A_136 = arith.mulf %tanh3A_135, %tanh3A_135 : vector<25600xf32>
    %mul3A_137 = vector.broadcast %mul3A_128 : f32 to vector<25600xf32>
    %mul3A_138 = arith.mulf %mul3A_137, %mul3A_136 : vector<25600xf32>
    %add3A_139 = arith.addf %add3A_122, %mul3A_138 : vector<25600xf32>
    %add3A_140 = arith.addf %add3A_123, %mul3A_128 : f32
    %get3A_141 = arith.constant 8 : index
    %get3A_142 = memref.load %arg5[%get3A_141] : memref<64xf32, #tpu.memory_space<smem>>
    %get3A_143 = arith.constant 8 : index
    %get3A_144 = memref.load %arg7[%get3A_143] : memref<64xf32, #tpu.memory_space<smem>>
    %mul3A_145 = arith.mulf %get3A_142, %get3A_144 : f32
    %mul3A_146 = vector.broadcast %get3A_142 : f32 to vector<25600xf32>
    %mul3A_147 = arith.mulf %mul3A, %mul3A_146 : vector<25600xf32>
    %get3A_148 = arith.constant 8 : index
    %get3A_149 = memref.load %arg6[%get3A_148] : memref<64xf32, #tpu.memory_space<smem>>
    %add3A_150 = vector.broadcast %get3A_149 : f32 to vector<25600xf32>
    %add3A_151 = arith.addf %mul3A_147, %add3A_150 : vector<25600xf32>
    %tanh3A_152 = math.tanh %add3A_151 : vector<25600xf32>
    %mul3A_153 = arith.mulf %tanh3A_152, %tanh3A_152 : vector<25600xf32>
    %mul3A_154 = vector.broadcast %mul3A_145 : f32 to vector<25600xf32>
    %mul3A_155 = arith.mulf %mul3A_154, %mul3A_153 : vector<25600xf32>
    %add3A_156 = arith.addf %add3A_139, %mul3A_155 : vector<25600xf32>
    %add3A_157 = arith.addf %add3A_140, %mul3A_145 : f32
    %get3A_158 = arith.constant 9 : index
    %get3A_159 = memref.load %arg5[%get3A_158] : memref<64xf32, #tpu.memory_space<smem>>
    %get3A_160 = arith.constant 9 : index
    %get3A_161 = memref.load %arg7[%get3A_160] : memref<64xf32, #tpu.memory_space<smem>>
    %mul3A_162 = arith.mulf %get3A_159, %get3A_161 : f32
    %mul3A_163 = vector.broadcast %get3A_159 : f32 to vector<25600xf32>
    %mul3A_164 = arith.mulf %mul3A, %mul3A_163 : vector<25600xf32>
    %get3A_165 = arith.constant 9 : index
    %get3A_166 = memref.load %arg6[%get3A_165] : memref<64xf32, #tpu.memory_space<smem>>
    %add3A_167 = vector.broadcast %get3A_166 : f32 to vector<25600xf32>
    %add3A_168 = arith.addf %mul3A_164, %add3A_167 : vector<25600xf32>
    %tanh3A_169 = math.tanh %add3A_168 : vector<25600xf32>
    %mul3A_170 = arith.mulf %tanh3A_169, %tanh3A_169 : vector<25600xf32>
    %mul3A_171 = vector.broadcast %mul3A_162 : f32 to vector<25600xf32>
    %mul3A_172 = arith.mulf %mul3A_171, %mul3A_170 : vector<25600xf32>
    %add3A_173 = arith.addf %add3A_156, %mul3A_172 : vector<25600xf32>
    %add3A_174 = arith.addf %add3A_157, %mul3A_162 : f32
    %get3A_175 = arith.constant 10 : index
    %get3A_176 = memref.load %arg5[%get3A_175] : memref<64xf32, #tpu.memory_space<smem>>
    %get3A_177 = arith.constant 10 : index
    %get3A_178 = memref.load %arg7[%get3A_177] : memref<64xf32, #tpu.memory_space<smem>>
    %mul3A_179 = arith.mulf %get3A_176, %get3A_178 : f32
    %mul3A_180 = vector.broadcast %get3A_176 : f32 to vector<25600xf32>
    %mul3A_181 = arith.mulf %mul3A, %mul3A_180 : vector<25600xf32>
    %get3A_182 = arith.constant 10 : index
    %get3A_183 = memref.load %arg6[%get3A_182] : memref<64xf32, #tpu.memory_space<smem>>
    %add3A_184 = vector.broadcast %get3A_183 : f32 to vector<25600xf32>
    %add3A_185 = arith.addf %mul3A_181, %add3A_184 : vector<25600xf32>
    %tanh3A_186 = math.tanh %add3A_185 : vector<25600xf32>
    %mul3A_187 = arith.mulf %tanh3A_186, %tanh3A_186 : vector<25600xf32>
    %mul3A_188 = vector.broadcast %mul3A_179 : f32 to vector<25600xf32>
    %mul3A_189 = arith.mulf %mul3A_188, %mul3A_187 : vector<25600xf32>
    %add3A_190 = arith.addf %add3A_173, %mul3A_189 : vector<25600xf32>
    %add3A_191 = arith.addf %add3A_174, %mul3A_179 : f32
    %get3A_192 = arith.constant 11 : index
    %get3A_193 = memref.load %arg5[%get3A_192] : memref<64xf32, #tpu.memory_space<smem>>
    %get3A_194 = arith.constant 11 : index
    %get3A_195 = memref.load %arg7[%get3A_194] : memref<64xf32, #tpu.memory_space<smem>>
    %mul3A_196 = arith.mulf %get3A_193, %get3A_195 : f32
    %mul3A_197 = vector.broadcast %get3A_193 : f32 to vector<25600xf32>
    %mul3A_198 = arith.mulf %mul3A, %mul3A_197 : vector<25600xf32>
    %get3A_199 = arith.constant 11 : index
    %get3A_200 = memref.load %arg6[%get3A_199] : memref<64xf32, #tpu.memory_space<smem>>
    %add3A_201 = vector.broadcast %get3A_200 : f32 to vector<25600xf32>
    %add3A_202 = arith.addf %mul3A_198, %add3A_201 : vector<25600xf32>
    %tanh3A_203 = math.tanh %add3A_202 : vector<25600xf32>
    %mul3A_204 = arith.mulf %tanh3A_203, %tanh3A_203 : vector<25600xf32>
    %mul3A_205 = vector.broadcast %mul3A_196 : f32 to vector<25600xf32>
    %mul3A_206 = arith.mulf %mul3A_205, %mul3A_204 : vector<25600xf32>
    %add3A_207 = arith.addf %add3A_190, %mul3A_206 : vector<25600xf32>
    %add3A_208 = arith.addf %add3A_191, %mul3A_196 : f32
    %get3A_209 = arith.constant 12 : index
    %get3A_210 = memref.load %arg5[%get3A_209] : memref<64xf32, #tpu.memory_space<smem>>
    %get3A_211 = arith.constant 12 : index
    %get3A_212 = memref.load %arg7[%get3A_211] : memref<64xf32, #tpu.memory_space<smem>>
    %mul3A_213 = arith.mulf %get3A_210, %get3A_212 : f32
    %mul3A_214 = vector.broadcast %get3A_210 : f32 to vector<25600xf32>
    %mul3A_215 = arith.mulf %mul3A, %mul3A_214 : vector<25600xf32>
    %get3A_216 = arith.constant 12 : index
    %get3A_217 = memref.load %arg6[%get3A_216] : memref<64xf32, #tpu.memory_space<smem>>
    %add3A_218 = vector.broadcast %get3A_217 : f32 to vector<25600xf32>
    %add3A_219 = arith.addf %mul3A_215, %add3A_218 : vector<25600xf32>
    %tanh3A_220 = math.tanh %add3A_219 : vector<25600xf32>
    %mul3A_221 = arith.mulf %tanh3A_220, %tanh3A_220 : vector<25600xf32>
    %mul3A_222 = vector.broadcast %mul3A_213 : f32 to vector<25600xf32>
    %mul3A_223 = arith.mulf %mul3A_222, %mul3A_221 : vector<25600xf32>
    %add3A_224 = arith.addf %add3A_207, %mul3A_223 : vector<25600xf32>
    %add3A_225 = arith.addf %add3A_208, %mul3A_213 : f32
    %get3A_226 = arith.constant 13 : index
    %get3A_227 = memref.load %arg5[%get3A_226] : memref<64xf32, #tpu.memory_space<smem>>
    %get3A_228 = arith.constant 13 : index
    %get3A_229 = memref.load %arg7[%get3A_228] : memref<64xf32, #tpu.memory_space<smem>>
    %mul3A_230 = arith.mulf %get3A_227, %get3A_229 : f32
    %mul3A_231 = vector.broadcast %get3A_227 : f32 to vector<25600xf32>
    %mul3A_232 = arith.mulf %mul3A, %mul3A_231 : vector<25600xf32>
    %get3A_233 = arith.constant 13 : index
    %get3A_234 = memref.load %arg6[%get3A_233] : memref<64xf32, #tpu.memory_space<smem>>
    %add3A_235 = vector.broadcast %get3A_234 : f32 to vector<25600xf32>
    %add3A_236 = arith.addf %mul3A_232, %add3A_235 : vector<25600xf32>
    %tanh3A_237 = math.tanh %add3A_236 : vector<25600xf32>
    %mul3A_238 = arith.mulf %tanh3A_237, %tanh3A_237 : vector<25600xf32>
    %mul3A_239 = vector.broadcast %mul3A_230 : f32 to vector<25600xf32>
    %mul3A_240 = arith.mulf %mul3A_239, %mul3A_238 : vector<25600xf32>
    %add3A_241 = arith.addf %add3A_224, %mul3A_240 : vector<25600xf32>
    %add3A_242 = arith.addf %add3A_225, %mul3A_230 : f32
    %get3A_243 = arith.constant 14 : index
    %get3A_244 = memref.load %arg5[%get3A_243] : memref<64xf32, #tpu.memory_space<smem>>
    %get3A_245 = arith.constant 14 : index
    %get3A_246 = memref.load %arg7[%get3A_245] : memref<64xf32, #tpu.memory_space<smem>>
    %mul3A_247 = arith.mulf %get3A_244, %get3A_246 : f32
    %mul3A_248 = vector.broadcast %get3A_244 : f32 to vector<25600xf32>
    %mul3A_249 = arith.mulf %mul3A, %mul3A_248 : vector<25600xf32>
    %get3A_250 = arith.constant 14 : index
    %get3A_251 = memref.load %arg6[%get3A_250] : memref<64xf32, #tpu.memory_space<smem>>
    %add3A_252 = vector.broadcast %get3A_251 : f32 to vector<25600xf32>
    %add3A_253 = arith.addf %mul3A_249, %add3A_252 : vector<25600xf32>
    %tanh3A_254 = math.tanh %add3A_253 : vector<25600xf32>
    %mul3A_255 = arith.mulf %tanh3A_254, %tanh3A_254 : vector<25600xf32>
    %mul3A_256 = vector.broadcast %mul3A_247 : f32 to vector<25600xf32>
    %mul3A_257 = arith.mulf %mul3A_256, %mul3A_255 : vector<25600xf32>
    %add3A_258 = arith.addf %add3A_241, %mul3A_257 : vector<25600xf32>
    %add3A_259 = arith.addf %add3A_242, %mul3A_247 : f32
    %get3A_260 = arith.constant 15 : index
    %get3A_261 = memref.load %arg5[%get3A_260] : memref<64xf32, #tpu.memory_space<smem>>
    %get3A_262 = arith.constant 15 : index
    %get3A_263 = memref.load %arg7[%get3A_262] : memref<64xf32, #tpu.memory_space<smem>>
    %mul3A_264 = arith.mulf %get3A_261, %get3A_263 : f32
    %mul3A_265 = vector.broadcast %get3A_261 : f32 to vector<25600xf32>
    %mul3A_266 = arith.mulf %mul3A, %mul3A_265 : vector<25600xf32>
    %get3A_267 = arith.constant 15 : index
    %get3A_268 = memref.load %arg6[%get3A_267] : memref<64xf32, #tpu.memory_space<smem>>
    %add3A_269 = vector.broadcast %get3A_268 : f32 to vector<25600xf32>
    %add3A_270 = arith.addf %mul3A_266, %add3A_269 : vector<25600xf32>
    %tanh3A_271 = math.tanh %add3A_270 : vector<25600xf32>
    %mul3A_272 = arith.mulf %tanh3A_271, %tanh3A_271 : vector<25600xf32>
    %mul3A_273 = vector.broadcast %mul3A_264 : f32 to vector<25600xf32>
    %mul3A_274 = arith.mulf %mul3A_273, %mul3A_272 : vector<25600xf32>
    %add3A_275 = arith.addf %add3A_258, %mul3A_274 : vector<25600xf32>
    %add3A_276 = arith.addf %add3A_259, %mul3A_264 : f32
    %get3A_277 = arith.constant 16 : index
    %get3A_278 = memref.load %arg5[%get3A_277] : memref<64xf32, #tpu.memory_space<smem>>
    %get3A_279 = arith.constant 16 : index
    %get3A_280 = memref.load %arg7[%get3A_279] : memref<64xf32, #tpu.memory_space<smem>>
    %mul3A_281 = arith.mulf %get3A_278, %get3A_280 : f32
    %mul3A_282 = vector.broadcast %get3A_278 : f32 to vector<25600xf32>
    %mul3A_283 = arith.mulf %mul3A, %mul3A_282 : vector<25600xf32>
    %get3A_284 = arith.constant 16 : index
    %get3A_285 = memref.load %arg6[%get3A_284] : memref<64xf32, #tpu.memory_space<smem>>
    %add3A_286 = vector.broadcast %get3A_285 : f32 to vector<25600xf32>
    %add3A_287 = arith.addf %mul3A_283, %add3A_286 : vector<25600xf32>
    %tanh3A_288 = math.tanh %add3A_287 : vector<25600xf32>
    %mul3A_289 = arith.mulf %tanh3A_288, %tanh3A_288 : vector<25600xf32>
    %mul3A_290 = vector.broadcast %mul3A_281 : f32 to vector<25600xf32>
    %mul3A_291 = arith.mulf %mul3A_290, %mul3A_289 : vector<25600xf32>
    %add3A_292 = arith.addf %add3A_275, %mul3A_291 : vector<25600xf32>
    %add3A_293 = arith.addf %add3A_276, %mul3A_281 : f32
    %get3A_294 = arith.constant 17 : index
    %get3A_295 = memref.load %arg5[%get3A_294] : memref<64xf32, #tpu.memory_space<smem>>
    %get3A_296 = arith.constant 17 : index
    %get3A_297 = memref.load %arg7[%get3A_296] : memref<64xf32, #tpu.memory_space<smem>>
    %mul3A_298 = arith.mulf %get3A_295, %get3A_297 : f32
    %mul3A_299 = vector.broadcast %get3A_295 : f32 to vector<25600xf32>
    %mul3A_300 = arith.mulf %mul3A, %mul3A_299 : vector<25600xf32>
    %get3A_301 = arith.constant 17 : index
    %get3A_302 = memref.load %arg6[%get3A_301] : memref<64xf32, #tpu.memory_space<smem>>
    %add3A_303 = vector.broadcast %get3A_302 : f32 to vector<25600xf32>
    %add3A_304 = arith.addf %mul3A_300, %add3A_303 : vector<25600xf32>
    %tanh3A_305 = math.tanh %add3A_304 : vector<25600xf32>
    %mul3A_306 = arith.mulf %tanh3A_305, %tanh3A_305 : vector<25600xf32>
    %mul3A_307 = vector.broadcast %mul3A_298 : f32 to vector<25600xf32>
    %mul3A_308 = arith.mulf %mul3A_307, %mul3A_306 : vector<25600xf32>
    %add3A_309 = arith.addf %add3A_292, %mul3A_308 : vector<25600xf32>
    %add3A_310 = arith.addf %add3A_293, %mul3A_298 : f32
    %get3A_311 = arith.constant 18 : index
    %get3A_312 = memref.load %arg5[%get3A_311] : memref<64xf32, #tpu.memory_space<smem>>
    %get3A_313 = arith.constant 18 : index
    %get3A_314 = memref.load %arg7[%get3A_313] : memref<64xf32, #tpu.memory_space<smem>>
    %mul3A_315 = arith.mulf %get3A_312, %get3A_314 : f32
    %mul3A_316 = vector.broadcast %get3A_312 : f32 to vector<25600xf32>
    %mul3A_317 = arith.mulf %mul3A, %mul3A_316 : vector<25600xf32>
    %get3A_318 = arith.constant 18 : index
    %get3A_319 = memref.load %arg6[%get3A_318] : memref<64xf32, #tpu.memory_space<smem>>
    %add3A_320 = vector.broadcast %get3A_319 : f32 to vector<25600xf32>
    %add3A_321 = arith.addf %mul3A_317, %add3A_320 : vector<25600xf32>
    %tanh3A_322 = math.tanh %add3A_321 : vector<25600xf32>
    %mul3A_323 = arith.mulf %tanh3A_322, %tanh3A_322 : vector<25600xf32>
    %mul3A_324 = vector.broadcast %mul3A_315 : f32 to vector<25600xf32>
    %mul3A_325 = arith.mulf %mul3A_324, %mul3A_323 : vector<25600xf32>
    %add3A_326 = arith.addf %add3A_309, %mul3A_325 : vector<25600xf32>
    %add3A_327 = arith.addf %add3A_310, %mul3A_315 : f32
    %get3A_328 = arith.constant 19 : index
    %get3A_329 = memref.load %arg5[%get3A_328] : memref<64xf32, #tpu.memory_space<smem>>
    %get3A_330 = arith.constant 19 : index
    %get3A_331 = memref.load %arg7[%get3A_330] : memref<64xf32, #tpu.memory_space<smem>>
    %mul3A_332 = arith.mulf %get3A_329, %get3A_331 : f32
    %mul3A_333 = vector.broadcast %get3A_329 : f32 to vector<25600xf32>
    %mul3A_334 = arith.mulf %mul3A, %mul3A_333 : vector<25600xf32>
    %get3A_335 = arith.constant 19 : index
    %get3A_336 = memref.load %arg6[%get3A_335] : memref<64xf32, #tpu.memory_space<smem>>
    %add3A_337 = vector.broadcast %get3A_336 : f32 to vector<25600xf32>
    %add3A_338 = arith.addf %mul3A_334, %add3A_337 : vector<25600xf32>
    %tanh3A_339 = math.tanh %add3A_338 : vector<25600xf32>
    %mul3A_340 = arith.mulf %tanh3A_339, %tanh3A_339 : vector<25600xf32>
    %mul3A_341 = vector.broadcast %mul3A_332 : f32 to vector<25600xf32>
    %mul3A_342 = arith.mulf %mul3A_341, %mul3A_340 : vector<25600xf32>
    %add3A_343 = arith.addf %add3A_326, %mul3A_342 : vector<25600xf32>
    %add3A_344 = arith.addf %add3A_327, %mul3A_332 : f32
    %get3A_345 = arith.constant 20 : index
    %get3A_346 = memref.load %arg5[%get3A_345] : memref<64xf32, #tpu.memory_space<smem>>
    %get3A_347 = arith.constant 20 : index
    %get3A_348 = memref.load %arg7[%get3A_347] : memref<64xf32, #tpu.memory_space<smem>>
    %mul3A_349 = arith.mulf %get3A_346, %get3A_348 : f32
    %mul3A_350 = vector.broadcast %get3A_346 : f32 to vector<25600xf32>
    %mul3A_351 = arith.mulf %mul3A, %mul3A_350 : vector<25600xf32>
    %get3A_352 = arith.constant 20 : index
    %get3A_353 = memref.load %arg6[%get3A_352] : memref<64xf32, #tpu.memory_space<smem>>
    %add3A_354 = vector.broadcast %get3A_353 : f32 to vector<25600xf32>
    %add3A_355 = arith.addf %mul3A_351, %add3A_354 : vector<25600xf32>
    %tanh3A_356 = math.tanh %add3A_355 : vector<25600xf32>
    %mul3A_357 = arith.mulf %tanh3A_356, %tanh3A_356 : vector<25600xf32>
    %mul3A_358 = vector.broadcast %mul3A_349 : f32 to vector<25600xf32>
    %mul3A_359 = arith.mulf %mul3A_358, %mul3A_357 : vector<25600xf32>
    %add3A_360 = arith.addf %add3A_343, %mul3A_359 : vector<25600xf32>
    %add3A_361 = arith.addf %add3A_344, %mul3A_349 : f32
    %get3A_362 = arith.constant 21 : index
    %get3A_363 = memref.load %arg5[%get3A_362] : memref<64xf32, #tpu.memory_space<smem>>
    %get3A_364 = arith.constant 21 : index
    %get3A_365 = memref.load %arg7[%get3A_364] : memref<64xf32, #tpu.memory_space<smem>>
    %mul3A_366 = arith.mulf %get3A_363, %get3A_365 : f32
    %mul3A_367 = vector.broadcast %get3A_363 : f32 to vector<25600xf32>
    %mul3A_368 = arith.mulf %mul3A, %mul3A_367 : vector<25600xf32>
    %get3A_369 = arith.constant 21 : index
    %get3A_370 = memref.load %arg6[%get3A_369] : memref<64xf32, #tpu.memory_space<smem>>
    %add3A_371 = vector.broadcast %get3A_370 : f32 to vector<25600xf32>
    %add3A_372 = arith.addf %mul3A_368, %add3A_371 : vector<25600xf32>
    %tanh3A_373 = math.tanh %add3A_372 : vector<25600xf32>
    %mul3A_374 = arith.mulf %tanh3A_373, %tanh3A_373 : vector<25600xf32>
    %mul3A_375 = vector.broadcast %mul3A_366 : f32 to vector<25600xf32>
    %mul3A_376 = arith.mulf %mul3A_375, %mul3A_374 : vector<25600xf32>
    %add3A_377 = arith.addf %add3A_360, %mul3A_376 : vector<25600xf32>
    %add3A_378 = arith.addf %add3A_361, %mul3A_366 : f32
    %get3A_379 = arith.constant 22 : index
    %get3A_380 = memref.load %arg5[%get3A_379] : memref<64xf32, #tpu.memory_space<smem>>
    %get3A_381 = arith.constant 22 : index
    %get3A_382 = memref.load %arg7[%get3A_381] : memref<64xf32, #tpu.memory_space<smem>>
    %mul3A_383 = arith.mulf %get3A_380, %get3A_382 : f32
    %mul3A_384 = vector.broadcast %get3A_380 : f32 to vector<25600xf32>
    %mul3A_385 = arith.mulf %mul3A, %mul3A_384 : vector<25600xf32>
    %get3A_386 = arith.constant 22 : index
    %get3A_387 = memref.load %arg6[%get3A_386] : memref<64xf32, #tpu.memory_space<smem>>
    %add3A_388 = vector.broadcast %get3A_387 : f32 to vector<25600xf32>
    %add3A_389 = arith.addf %mul3A_385, %add3A_388 : vector<25600xf32>
    %tanh3A_390 = math.tanh %add3A_389 : vector<25600xf32>
    %mul3A_391 = arith.mulf %tanh3A_390, %tanh3A_390 : vector<25600xf32>
    %mul3A_392 = vector.broadcast %mul3A_383 : f32 to vector<25600xf32>
    %mul3A_393 = arith.mulf %mul3A_392, %mul3A_391 : vector<25600xf32>
    %add3A_394 = arith.addf %add3A_377, %mul3A_393 : vector<25600xf32>
    %add3A_395 = arith.addf %add3A_378, %mul3A_383 : f32
    %get3A_396 = arith.constant 23 : index
    %get3A_397 = memref.load %arg5[%get3A_396] : memref<64xf32, #tpu.memory_space<smem>>
    %get3A_398 = arith.constant 23 : index
    %get3A_399 = memref.load %arg7[%get3A_398] : memref<64xf32, #tpu.memory_space<smem>>
    %mul3A_400 = arith.mulf %get3A_397, %get3A_399 : f32
    %mul3A_401 = vector.broadcast %get3A_397 : f32 to vector<25600xf32>
    %mul3A_402 = arith.mulf %mul3A, %mul3A_401 : vector<25600xf32>
    %get3A_403 = arith.constant 23 : index
    %get3A_404 = memref.load %arg6[%get3A_403] : memref<64xf32, #tpu.memory_space<smem>>
    %add3A_405 = vector.broadcast %get3A_404 : f32 to vector<25600xf32>
    %add3A_406 = arith.addf %mul3A_402, %add3A_405 : vector<25600xf32>
    %tanh3A_407 = math.tanh %add3A_406 : vector<25600xf32>
    %mul3A_408 = arith.mulf %tanh3A_407, %tanh3A_407 : vector<25600xf32>
    %mul3A_409 = vector.broadcast %mul3A_400 : f32 to vector<25600xf32>
    %mul3A_410 = arith.mulf %mul3A_409, %mul3A_408 : vector<25600xf32>
    %add3A_411 = arith.addf %add3A_394, %mul3A_410 : vector<25600xf32>
    %add3A_412 = arith.addf %add3A_395, %mul3A_400 : f32
    %get3A_413 = arith.constant 24 : index
    %get3A_414 = memref.load %arg5[%get3A_413] : memref<64xf32, #tpu.memory_space<smem>>
    %get3A_415 = arith.constant 24 : index
    %get3A_416 = memref.load %arg7[%get3A_415] : memref<64xf32, #tpu.memory_space<smem>>
    %mul3A_417 = arith.mulf %get3A_414, %get3A_416 : f32
    %mul3A_418 = vector.broadcast %get3A_414 : f32 to vector<25600xf32>
    %mul3A_419 = arith.mulf %mul3A, %mul3A_418 : vector<25600xf32>
    %get3A_420 = arith.constant 24 : index
    %get3A_421 = memref.load %arg6[%get3A_420] : memref<64xf32, #tpu.memory_space<smem>>
    %add3A_422 = vector.broadcast %get3A_421 : f32 to vector<25600xf32>
    %add3A_423 = arith.addf %mul3A_419, %add3A_422 : vector<25600xf32>
    %tanh3A_424 = math.tanh %add3A_423 : vector<25600xf32>
    %mul3A_425 = arith.mulf %tanh3A_424, %tanh3A_424 : vector<25600xf32>
    %mul3A_426 = vector.broadcast %mul3A_417 : f32 to vector<25600xf32>
    %mul3A_427 = arith.mulf %mul3A_426, %mul3A_425 : vector<25600xf32>
    %add3A_428 = arith.addf %add3A_411, %mul3A_427 : vector<25600xf32>
    %add3A_429 = arith.addf %add3A_412, %mul3A_417 : f32
    %get3A_430 = arith.constant 25 : index
    %get3A_431 = memref.load %arg5[%get3A_430] : memref<64xf32, #tpu.memory_space<smem>>
    %get3A_432 = arith.constant 25 : index
    %get3A_433 = memref.load %arg7[%get3A_432] : memref<64xf32, #tpu.memory_space<smem>>
    %mul3A_434 = arith.mulf %get3A_431, %get3A_433 : f32
    %mul3A_435 = vector.broadcast %get3A_431 : f32 to vector<25600xf32>
    %mul3A_436 = arith.mulf %mul3A, %mul3A_435 : vector<25600xf32>
    %get3A_437 = arith.constant 25 : index
    %get3A_438 = memref.load %arg6[%get3A_437] : memref<64xf32, #tpu.memory_space<smem>>
    %add3A_439 = vector.broadcast %get3A_438 : f32 to vector<25600xf32>
    %add3A_440 = arith.addf %mul3A_436, %add3A_439 : vector<25600xf32>
    %tanh3A_441 = math.tanh %add3A_440 : vector<25600xf32>
    %mul3A_442 = arith.mulf %tanh3A_441, %tanh3A_441 : vector<25600xf32>
    %mul3A_443 = vector.broadcast %mul3A_434 : f32 to vector<25600xf32>
    %mul3A_444 = arith.mulf %mul3A_443, %mul3A_442 : vector<25600xf32>
    %add3A_445 = arith.addf %add3A_428, %mul3A_444 : vector<25600xf32>
    %add3A_446 = arith.addf %add3A_429, %mul3A_434 : f32
    %get3A_447 = arith.constant 26 : index
    %get3A_448 = memref.load %arg5[%get3A_447] : memref<64xf32, #tpu.memory_space<smem>>
    %get3A_449 = arith.constant 26 : index
    %get3A_450 = memref.load %arg7[%get3A_449] : memref<64xf32, #tpu.memory_space<smem>>
    %mul3A_451 = arith.mulf %get3A_448, %get3A_450 : f32
    %mul3A_452 = vector.broadcast %get3A_448 : f32 to vector<25600xf32>
    %mul3A_453 = arith.mulf %mul3A, %mul3A_452 : vector<25600xf32>
    %get3A_454 = arith.constant 26 : index
    %get3A_455 = memref.load %arg6[%get3A_454] : memref<64xf32, #tpu.memory_space<smem>>
    %add3A_456 = vector.broadcast %get3A_455 : f32 to vector<25600xf32>
    %add3A_457 = arith.addf %mul3A_453, %add3A_456 : vector<25600xf32>
    %tanh3A_458 = math.tanh %add3A_457 : vector<25600xf32>
    %mul3A_459 = arith.mulf %tanh3A_458, %tanh3A_458 : vector<25600xf32>
    %mul3A_460 = vector.broadcast %mul3A_451 : f32 to vector<25600xf32>
    %mul3A_461 = arith.mulf %mul3A_460, %mul3A_459 : vector<25600xf32>
    %add3A_462 = arith.addf %add3A_445, %mul3A_461 : vector<25600xf32>
    %add3A_463 = arith.addf %add3A_446, %mul3A_451 : f32
    %get3A_464 = arith.constant 27 : index
    %get3A_465 = memref.load %arg5[%get3A_464] : memref<64xf32, #tpu.memory_space<smem>>
    %get3A_466 = arith.constant 27 : index
    %get3A_467 = memref.load %arg7[%get3A_466] : memref<64xf32, #tpu.memory_space<smem>>
    %mul3A_468 = arith.mulf %get3A_465, %get3A_467 : f32
    %mul3A_469 = vector.broadcast %get3A_465 : f32 to vector<25600xf32>
    %mul3A_470 = arith.mulf %mul3A, %mul3A_469 : vector<25600xf32>
    %get3A_471 = arith.constant 27 : index
    %get3A_472 = memref.load %arg6[%get3A_471] : memref<64xf32, #tpu.memory_space<smem>>
    %add3A_473 = vector.broadcast %get3A_472 : f32 to vector<25600xf32>
    %add3A_474 = arith.addf %mul3A_470, %add3A_473 : vector<25600xf32>
    %tanh3A_475 = math.tanh %add3A_474 : vector<25600xf32>
    %mul3A_476 = arith.mulf %tanh3A_475, %tanh3A_475 : vector<25600xf32>
    %mul3A_477 = vector.broadcast %mul3A_468 : f32 to vector<25600xf32>
    %mul3A_478 = arith.mulf %mul3A_477, %mul3A_476 : vector<25600xf32>
    %add3A_479 = arith.addf %add3A_462, %mul3A_478 : vector<25600xf32>
    %add3A_480 = arith.addf %add3A_463, %mul3A_468 : f32
    %get3A_481 = arith.constant 28 : index
    %get3A_482 = memref.load %arg5[%get3A_481] : memref<64xf32, #tpu.memory_space<smem>>
    %get3A_483 = arith.constant 28 : index
    %get3A_484 = memref.load %arg7[%get3A_483] : memref<64xf32, #tpu.memory_space<smem>>
    %mul3A_485 = arith.mulf %get3A_482, %get3A_484 : f32
    %mul3A_486 = vector.broadcast %get3A_482 : f32 to vector<25600xf32>
    %mul3A_487 = arith.mulf %mul3A, %mul3A_486 : vector<25600xf32>
    %get3A_488 = arith.constant 28 : index
    %get3A_489 = memref.load %arg6[%get3A_488] : memref<64xf32, #tpu.memory_space<smem>>
    %add3A_490 = vector.broadcast %get3A_489 : f32 to vector<25600xf32>
    %add3A_491 = arith.addf %mul3A_487, %add3A_490 : vector<25600xf32>
    %tanh3A_492 = math.tanh %add3A_491 : vector<25600xf32>
    %mul3A_493 = arith.mulf %tanh3A_492, %tanh3A_492 : vector<25600xf32>
    %mul3A_494 = vector.broadcast %mul3A_485 : f32 to vector<25600xf32>
    %mul3A_495 = arith.mulf %mul3A_494, %mul3A_493 : vector<25600xf32>
    %add3A_496 = arith.addf %add3A_479, %mul3A_495 : vector<25600xf32>
    %add3A_497 = arith.addf %add3A_480, %mul3A_485 : f32
    %get3A_498 = arith.constant 29 : index
    %get3A_499 = memref.load %arg5[%get3A_498] : memref<64xf32, #tpu.memory_space<smem>>
    %get3A_500 = arith.constant 29 : index
    %get3A_501 = memref.load %arg7[%get3A_500] : memref<64xf32, #tpu.memory_space<smem>>
    %mul3A_502 = arith.mulf %get3A_499, %get3A_501 : f32
    %mul3A_503 = vector.broadcast %get3A_499 : f32 to vector<25600xf32>
    %mul3A_504 = arith.mulf %mul3A, %mul3A_503 : vector<25600xf32>
    %get3A_505 = arith.constant 29 : index
    %get3A_506 = memref.load %arg6[%get3A_505] : memref<64xf32, #tpu.memory_space<smem>>
    %add3A_507 = vector.broadcast %get3A_506 : f32 to vector<25600xf32>
    %add3A_508 = arith.addf %mul3A_504, %add3A_507 : vector<25600xf32>
    %tanh3A_509 = math.tanh %add3A_508 : vector<25600xf32>
    %mul3A_510 = arith.mulf %tanh3A_509, %tanh3A_509 : vector<25600xf32>
    %mul3A_511 = vector.broadcast %mul3A_502 : f32 to vector<25600xf32>
    %mul3A_512 = arith.mulf %mul3A_511, %mul3A_510 : vector<25600xf32>
    %add3A_513 = arith.addf %add3A_496, %mul3A_512 : vector<25600xf32>
    %add3A_514 = arith.addf %add3A_497, %mul3A_502 : f32
    %get3A_515 = arith.constant 30 : index
    %get3A_516 = memref.load %arg5[%get3A_515] : memref<64xf32, #tpu.memory_space<smem>>
    %get3A_517 = arith.constant 30 : index
    %get3A_518 = memref.load %arg7[%get3A_517] : memref<64xf32, #tpu.memory_space<smem>>
    %mul3A_519 = arith.mulf %get3A_516, %get3A_518 : f32
    %mul3A_520 = vector.broadcast %get3A_516 : f32 to vector<25600xf32>
    %mul3A_521 = arith.mulf %mul3A, %mul3A_520 : vector<25600xf32>
    %get3A_522 = arith.constant 30 : index
    %get3A_523 = memref.load %arg6[%get3A_522] : memref<64xf32, #tpu.memory_space<smem>>
    %add3A_524 = vector.broadcast %get3A_523 : f32 to vector<25600xf32>
    %add3A_525 = arith.addf %mul3A_521, %add3A_524 : vector<25600xf32>
    %tanh3A_526 = math.tanh %add3A_525 : vector<25600xf32>
    %mul3A_527 = arith.mulf %tanh3A_526, %tanh3A_526 : vector<25600xf32>
    %mul3A_528 = vector.broadcast %mul3A_519 : f32 to vector<25600xf32>
    %mul3A_529 = arith.mulf %mul3A_528, %mul3A_527 : vector<25600xf32>
    %add3A_530 = arith.addf %add3A_513, %mul3A_529 : vector<25600xf32>
    %add3A_531 = arith.addf %add3A_514, %mul3A_519 : f32
    %get3A_532 = arith.constant 31 : index
    %get3A_533 = memref.load %arg5[%get3A_532] : memref<64xf32, #tpu.memory_space<smem>>
    %get3A_534 = arith.constant 31 : index
    %get3A_535 = memref.load %arg7[%get3A_534] : memref<64xf32, #tpu.memory_space<smem>>
    %mul3A_536 = arith.mulf %get3A_533, %get3A_535 : f32
    %mul3A_537 = vector.broadcast %get3A_533 : f32 to vector<25600xf32>
    %mul3A_538 = arith.mulf %mul3A, %mul3A_537 : vector<25600xf32>
    %get3A_539 = arith.constant 31 : index
    %get3A_540 = memref.load %arg6[%get3A_539] : memref<64xf32, #tpu.memory_space<smem>>
    %add3A_541 = vector.broadcast %get3A_540 : f32 to vector<25600xf32>
    %add3A_542 = arith.addf %mul3A_538, %add3A_541 : vector<25600xf32>
    %tanh3A_543 = math.tanh %add3A_542 : vector<25600xf32>
    %mul3A_544 = arith.mulf %tanh3A_543, %tanh3A_543 : vector<25600xf32>
    %mul3A_545 = vector.broadcast %mul3A_536 : f32 to vector<25600xf32>
    %mul3A_546 = arith.mulf %mul3A_545, %mul3A_544 : vector<25600xf32>
    %add3A_547 = arith.addf %add3A_530, %mul3A_546 : vector<25600xf32>
    %add3A_548 = arith.addf %add3A_531, %mul3A_536 : f32
    %get3A_549 = arith.constant 32 : index
    %get3A_550 = memref.load %arg5[%get3A_549] : memref<64xf32, #tpu.memory_space<smem>>
    %get3A_551 = arith.constant 32 : index
    %get3A_552 = memref.load %arg7[%get3A_551] : memref<64xf32, #tpu.memory_space<smem>>
    %mul3A_553 = arith.mulf %get3A_550, %get3A_552 : f32
    %mul3A_554 = vector.broadcast %get3A_550 : f32 to vector<25600xf32>
    %mul3A_555 = arith.mulf %mul3A, %mul3A_554 : vector<25600xf32>
    %get3A_556 = arith.constant 32 : index
    %get3A_557 = memref.load %arg6[%get3A_556] : memref<64xf32, #tpu.memory_space<smem>>
    %add3A_558 = vector.broadcast %get3A_557 : f32 to vector<25600xf32>
    %add3A_559 = arith.addf %mul3A_555, %add3A_558 : vector<25600xf32>
    %tanh3A_560 = math.tanh %add3A_559 : vector<25600xf32>
    %mul3A_561 = arith.mulf %tanh3A_560, %tanh3A_560 : vector<25600xf32>
    %mul3A_562 = vector.broadcast %mul3A_553 : f32 to vector<25600xf32>
    %mul3A_563 = arith.mulf %mul3A_562, %mul3A_561 : vector<25600xf32>
    %add3A_564 = arith.addf %add3A_547, %mul3A_563 : vector<25600xf32>
    %add3A_565 = arith.addf %add3A_548, %mul3A_553 : f32
    %get3A_566 = arith.constant 33 : index
    %get3A_567 = memref.load %arg5[%get3A_566] : memref<64xf32, #tpu.memory_space<smem>>
    %get3A_568 = arith.constant 33 : index
    %get3A_569 = memref.load %arg7[%get3A_568] : memref<64xf32, #tpu.memory_space<smem>>
    %mul3A_570 = arith.mulf %get3A_567, %get3A_569 : f32
    %mul3A_571 = vector.broadcast %get3A_567 : f32 to vector<25600xf32>
    %mul3A_572 = arith.mulf %mul3A, %mul3A_571 : vector<25600xf32>
    %get3A_573 = arith.constant 33 : index
    %get3A_574 = memref.load %arg6[%get3A_573] : memref<64xf32, #tpu.memory_space<smem>>
    %add3A_575 = vector.broadcast %get3A_574 : f32 to vector<25600xf32>
    %add3A_576 = arith.addf %mul3A_572, %add3A_575 : vector<25600xf32>
    %tanh3A_577 = math.tanh %add3A_576 : vector<25600xf32>
    %mul3A_578 = arith.mulf %tanh3A_577, %tanh3A_577 : vector<25600xf32>
    %mul3A_579 = vector.broadcast %mul3A_570 : f32 to vector<25600xf32>
    %mul3A_580 = arith.mulf %mul3A_579, %mul3A_578 : vector<25600xf32>
    %add3A_581 = arith.addf %add3A_564, %mul3A_580 : vector<25600xf32>
    %add3A_582 = arith.addf %add3A_565, %mul3A_570 : f32
    %get3A_583 = arith.constant 34 : index
    %get3A_584 = memref.load %arg5[%get3A_583] : memref<64xf32, #tpu.memory_space<smem>>
    %get3A_585 = arith.constant 34 : index
    %get3A_586 = memref.load %arg7[%get3A_585] : memref<64xf32, #tpu.memory_space<smem>>
    %mul3A_587 = arith.mulf %get3A_584, %get3A_586 : f32
    %mul3A_588 = vector.broadcast %get3A_584 : f32 to vector<25600xf32>
    %mul3A_589 = arith.mulf %mul3A, %mul3A_588 : vector<25600xf32>
    %get3A_590 = arith.constant 34 : index
    %get3A_591 = memref.load %arg6[%get3A_590] : memref<64xf32, #tpu.memory_space<smem>>
    %add3A_592 = vector.broadcast %get3A_591 : f32 to vector<25600xf32>
    %add3A_593 = arith.addf %mul3A_589, %add3A_592 : vector<25600xf32>
    %tanh3A_594 = math.tanh %add3A_593 : vector<25600xf32>
    %mul3A_595 = arith.mulf %tanh3A_594, %tanh3A_594 : vector<25600xf32>
    %mul3A_596 = vector.broadcast %mul3A_587 : f32 to vector<25600xf32>
    %mul3A_597 = arith.mulf %mul3A_596, %mul3A_595 : vector<25600xf32>
    %add3A_598 = arith.addf %add3A_581, %mul3A_597 : vector<25600xf32>
    %add3A_599 = arith.addf %add3A_582, %mul3A_587 : f32
    %get3A_600 = arith.constant 35 : index
    %get3A_601 = memref.load %arg5[%get3A_600] : memref<64xf32, #tpu.memory_space<smem>>
    %get3A_602 = arith.constant 35 : index
    %get3A_603 = memref.load %arg7[%get3A_602] : memref<64xf32, #tpu.memory_space<smem>>
    %mul3A_604 = arith.mulf %get3A_601, %get3A_603 : f32
    %mul3A_605 = vector.broadcast %get3A_601 : f32 to vector<25600xf32>
    %mul3A_606 = arith.mulf %mul3A, %mul3A_605 : vector<25600xf32>
    %get3A_607 = arith.constant 35 : index
    %get3A_608 = memref.load %arg6[%get3A_607] : memref<64xf32, #tpu.memory_space<smem>>
    %add3A_609 = vector.broadcast %get3A_608 : f32 to vector<25600xf32>
    %add3A_610 = arith.addf %mul3A_606, %add3A_609 : vector<25600xf32>
    %tanh3A_611 = math.tanh %add3A_610 : vector<25600xf32>
    %mul3A_612 = arith.mulf %tanh3A_611, %tanh3A_611 : vector<25600xf32>
    %mul3A_613 = vector.broadcast %mul3A_604 : f32 to vector<25600xf32>
    %mul3A_614 = arith.mulf %mul3A_613, %mul3A_612 : vector<25600xf32>
    %add3A_615 = arith.addf %add3A_598, %mul3A_614 : vector<25600xf32>
    %add3A_616 = arith.addf %add3A_599, %mul3A_604 : f32
    %get3A_617 = arith.constant 36 : index
    %get3A_618 = memref.load %arg5[%get3A_617] : memref<64xf32, #tpu.memory_space<smem>>
    %get3A_619 = arith.constant 36 : index
    %get3A_620 = memref.load %arg7[%get3A_619] : memref<64xf32, #tpu.memory_space<smem>>
    %mul3A_621 = arith.mulf %get3A_618, %get3A_620 : f32
    %mul3A_622 = vector.broadcast %get3A_618 : f32 to vector<25600xf32>
    %mul3A_623 = arith.mulf %mul3A, %mul3A_622 : vector<25600xf32>
    %get3A_624 = arith.constant 36 : index
    %get3A_625 = memref.load %arg6[%get3A_624] : memref<64xf32, #tpu.memory_space<smem>>
    %add3A_626 = vector.broadcast %get3A_625 : f32 to vector<25600xf32>
    %add3A_627 = arith.addf %mul3A_623, %add3A_626 : vector<25600xf32>
    %tanh3A_628 = math.tanh %add3A_627 : vector<25600xf32>
    %mul3A_629 = arith.mulf %tanh3A_628, %tanh3A_628 : vector<25600xf32>
    %mul3A_630 = vector.broadcast %mul3A_621 : f32 to vector<25600xf32>
    %mul3A_631 = arith.mulf %mul3A_630, %mul3A_629 : vector<25600xf32>
    %add3A_632 = arith.addf %add3A_615, %mul3A_631 : vector<25600xf32>
    %add3A_633 = arith.addf %add3A_616, %mul3A_621 : f32
    %get3A_634 = arith.constant 37 : index
    %get3A_635 = memref.load %arg5[%get3A_634] : memref<64xf32, #tpu.memory_space<smem>>
    %get3A_636 = arith.constant 37 : index
    %get3A_637 = memref.load %arg7[%get3A_636] : memref<64xf32, #tpu.memory_space<smem>>
    %mul3A_638 = arith.mulf %get3A_635, %get3A_637 : f32
    %mul3A_639 = vector.broadcast %get3A_635 : f32 to vector<25600xf32>
    %mul3A_640 = arith.mulf %mul3A, %mul3A_639 : vector<25600xf32>
    %get3A_641 = arith.constant 37 : index
    %get3A_642 = memref.load %arg6[%get3A_641] : memref<64xf32, #tpu.memory_space<smem>>
    %add3A_643 = vector.broadcast %get3A_642 : f32 to vector<25600xf32>
    %add3A_644 = arith.addf %mul3A_640, %add3A_643 : vector<25600xf32>
    %tanh3A_645 = math.tanh %add3A_644 : vector<25600xf32>
    %mul3A_646 = arith.mulf %tanh3A_645, %tanh3A_645 : vector<25600xf32>
    %mul3A_647 = vector.broadcast %mul3A_638 : f32 to vector<25600xf32>
    %mul3A_648 = arith.mulf %mul3A_647, %mul3A_646 : vector<25600xf32>
    %add3A_649 = arith.addf %add3A_632, %mul3A_648 : vector<25600xf32>
    %add3A_650 = arith.addf %add3A_633, %mul3A_638 : f32
    %get3A_651 = arith.constant 38 : index
    %get3A_652 = memref.load %arg5[%get3A_651] : memref<64xf32, #tpu.memory_space<smem>>
    %get3A_653 = arith.constant 38 : index
    %get3A_654 = memref.load %arg7[%get3A_653] : memref<64xf32, #tpu.memory_space<smem>>
    %mul3A_655 = arith.mulf %get3A_652, %get3A_654 : f32
    %mul3A_656 = vector.broadcast %get3A_652 : f32 to vector<25600xf32>
    %mul3A_657 = arith.mulf %mul3A, %mul3A_656 : vector<25600xf32>
    %get3A_658 = arith.constant 38 : index
    %get3A_659 = memref.load %arg6[%get3A_658] : memref<64xf32, #tpu.memory_space<smem>>
    %add3A_660 = vector.broadcast %get3A_659 : f32 to vector<25600xf32>
    %add3A_661 = arith.addf %mul3A_657, %add3A_660 : vector<25600xf32>
    %tanh3A_662 = math.tanh %add3A_661 : vector<25600xf32>
    %mul3A_663 = arith.mulf %tanh3A_662, %tanh3A_662 : vector<25600xf32>
    %mul3A_664 = vector.broadcast %mul3A_655 : f32 to vector<25600xf32>
    %mul3A_665 = arith.mulf %mul3A_664, %mul3A_663 : vector<25600xf32>
    %add3A_666 = arith.addf %add3A_649, %mul3A_665 : vector<25600xf32>
    %add3A_667 = arith.addf %add3A_650, %mul3A_655 : f32
    %get3A_668 = arith.constant 39 : index
    %get3A_669 = memref.load %arg5[%get3A_668] : memref<64xf32, #tpu.memory_space<smem>>
    %get3A_670 = arith.constant 39 : index
    %get3A_671 = memref.load %arg7[%get3A_670] : memref<64xf32, #tpu.memory_space<smem>>
    %mul3A_672 = arith.mulf %get3A_669, %get3A_671 : f32
    %mul3A_673 = vector.broadcast %get3A_669 : f32 to vector<25600xf32>
    %mul3A_674 = arith.mulf %mul3A, %mul3A_673 : vector<25600xf32>
    %get3A_675 = arith.constant 39 : index
    %get3A_676 = memref.load %arg6[%get3A_675] : memref<64xf32, #tpu.memory_space<smem>>
    %add3A_677 = vector.broadcast %get3A_676 : f32 to vector<25600xf32>
    %add3A_678 = arith.addf %mul3A_674, %add3A_677 : vector<25600xf32>
    %tanh3A_679 = math.tanh %add3A_678 : vector<25600xf32>
    %mul3A_680 = arith.mulf %tanh3A_679, %tanh3A_679 : vector<25600xf32>
    %mul3A_681 = vector.broadcast %mul3A_672 : f32 to vector<25600xf32>
    %mul3A_682 = arith.mulf %mul3A_681, %mul3A_680 : vector<25600xf32>
    %add3A_683 = arith.addf %add3A_666, %mul3A_682 : vector<25600xf32>
    %add3A_684 = arith.addf %add3A_667, %mul3A_672 : f32
    %get3A_685 = arith.constant 40 : index
    %get3A_686 = memref.load %arg5[%get3A_685] : memref<64xf32, #tpu.memory_space<smem>>
    %get3A_687 = arith.constant 40 : index
    %get3A_688 = memref.load %arg7[%get3A_687] : memref<64xf32, #tpu.memory_space<smem>>
    %mul3A_689 = arith.mulf %get3A_686, %get3A_688 : f32
    %mul3A_690 = vector.broadcast %get3A_686 : f32 to vector<25600xf32>
    %mul3A_691 = arith.mulf %mul3A, %mul3A_690 : vector<25600xf32>
    %get3A_692 = arith.constant 40 : index
    %get3A_693 = memref.load %arg6[%get3A_692] : memref<64xf32, #tpu.memory_space<smem>>
    %add3A_694 = vector.broadcast %get3A_693 : f32 to vector<25600xf32>
    %add3A_695 = arith.addf %mul3A_691, %add3A_694 : vector<25600xf32>
    %tanh3A_696 = math.tanh %add3A_695 : vector<25600xf32>
    %mul3A_697 = arith.mulf %tanh3A_696, %tanh3A_696 : vector<25600xf32>
    %mul3A_698 = vector.broadcast %mul3A_689 : f32 to vector<25600xf32>
    %mul3A_699 = arith.mulf %mul3A_698, %mul3A_697 : vector<25600xf32>
    %add3A_700 = arith.addf %add3A_683, %mul3A_699 : vector<25600xf32>
    %add3A_701 = arith.addf %add3A_684, %mul3A_689 : f32
    %get3A_702 = arith.constant 41 : index
    %get3A_703 = memref.load %arg5[%get3A_702] : memref<64xf32, #tpu.memory_space<smem>>
    %get3A_704 = arith.constant 41 : index
    %get3A_705 = memref.load %arg7[%get3A_704] : memref<64xf32, #tpu.memory_space<smem>>
    %mul3A_706 = arith.mulf %get3A_703, %get3A_705 : f32
    %mul3A_707 = vector.broadcast %get3A_703 : f32 to vector<25600xf32>
    %mul3A_708 = arith.mulf %mul3A, %mul3A_707 : vector<25600xf32>
    %get3A_709 = arith.constant 41 : index
    %get3A_710 = memref.load %arg6[%get3A_709] : memref<64xf32, #tpu.memory_space<smem>>
    %add3A_711 = vector.broadcast %get3A_710 : f32 to vector<25600xf32>
    %add3A_712 = arith.addf %mul3A_708, %add3A_711 : vector<25600xf32>
    %tanh3A_713 = math.tanh %add3A_712 : vector<25600xf32>
    %mul3A_714 = arith.mulf %tanh3A_713, %tanh3A_713 : vector<25600xf32>
    %mul3A_715 = vector.broadcast %mul3A_706 : f32 to vector<25600xf32>
    %mul3A_716 = arith.mulf %mul3A_715, %mul3A_714 : vector<25600xf32>
    %add3A_717 = arith.addf %add3A_700, %mul3A_716 : vector<25600xf32>
    %add3A_718 = arith.addf %add3A_701, %mul3A_706 : f32
    %get3A_719 = arith.constant 42 : index
    %get3A_720 = memref.load %arg5[%get3A_719] : memref<64xf32, #tpu.memory_space<smem>>
    %get3A_721 = arith.constant 42 : index
    %get3A_722 = memref.load %arg7[%get3A_721] : memref<64xf32, #tpu.memory_space<smem>>
    %mul3A_723 = arith.mulf %get3A_720, %get3A_722 : f32
    %mul3A_724 = vector.broadcast %get3A_720 : f32 to vector<25600xf32>
    %mul3A_725 = arith.mulf %mul3A, %mul3A_724 : vector<25600xf32>
    %get3A_726 = arith.constant 42 : index
    %get3A_727 = memref.load %arg6[%get3A_726] : memref<64xf32, #tpu.memory_space<smem>>
    %add3A_728 = vector.broadcast %get3A_727 : f32 to vector<25600xf32>
    %add3A_729 = arith.addf %mul3A_725, %add3A_728 : vector<25600xf32>
    %tanh3A_730 = math.tanh %add3A_729 : vector<25600xf32>
    %mul3A_731 = arith.mulf %tanh3A_730, %tanh3A_730 : vector<25600xf32>
    %mul3A_732 = vector.broadcast %mul3A_723 : f32 to vector<25600xf32>
    %mul3A_733 = arith.mulf %mul3A_732, %mul3A_731 : vector<25600xf32>
    %add3A_734 = arith.addf %add3A_717, %mul3A_733 : vector<25600xf32>
    %add3A_735 = arith.addf %add3A_718, %mul3A_723 : f32
    %get3A_736 = arith.constant 43 : index
    %get3A_737 = memref.load %arg5[%get3A_736] : memref<64xf32, #tpu.memory_space<smem>>
    %get3A_738 = arith.constant 43 : index
    %get3A_739 = memref.load %arg7[%get3A_738] : memref<64xf32, #tpu.memory_space<smem>>
    %mul3A_740 = arith.mulf %get3A_737, %get3A_739 : f32
    %mul3A_741 = vector.broadcast %get3A_737 : f32 to vector<25600xf32>
    %mul3A_742 = arith.mulf %mul3A, %mul3A_741 : vector<25600xf32>
    %get3A_743 = arith.constant 43 : index
    %get3A_744 = memref.load %arg6[%get3A_743] : memref<64xf32, #tpu.memory_space<smem>>
    %add3A_745 = vector.broadcast %get3A_744 : f32 to vector<25600xf32>
    %add3A_746 = arith.addf %mul3A_742, %add3A_745 : vector<25600xf32>
    %tanh3A_747 = math.tanh %add3A_746 : vector<25600xf32>
    %mul3A_748 = arith.mulf %tanh3A_747, %tanh3A_747 : vector<25600xf32>
    %mul3A_749 = vector.broadcast %mul3A_740 : f32 to vector<25600xf32>
    %mul3A_750 = arith.mulf %mul3A_749, %mul3A_748 : vector<25600xf32>
    %add3A_751 = arith.addf %add3A_734, %mul3A_750 : vector<25600xf32>
    %add3A_752 = arith.addf %add3A_735, %mul3A_740 : f32
    %get3A_753 = arith.constant 44 : index
    %get3A_754 = memref.load %arg5[%get3A_753] : memref<64xf32, #tpu.memory_space<smem>>
    %get3A_755 = arith.constant 44 : index
    %get3A_756 = memref.load %arg7[%get3A_755] : memref<64xf32, #tpu.memory_space<smem>>
    %mul3A_757 = arith.mulf %get3A_754, %get3A_756 : f32
    %mul3A_758 = vector.broadcast %get3A_754 : f32 to vector<25600xf32>
    %mul3A_759 = arith.mulf %mul3A, %mul3A_758 : vector<25600xf32>
    %get3A_760 = arith.constant 44 : index
    %get3A_761 = memref.load %arg6[%get3A_760] : memref<64xf32, #tpu.memory_space<smem>>
    %add3A_762 = vector.broadcast %get3A_761 : f32 to vector<25600xf32>
    %add3A_763 = arith.addf %mul3A_759, %add3A_762 : vector<25600xf32>
    %tanh3A_764 = math.tanh %add3A_763 : vector<25600xf32>
    %mul3A_765 = arith.mulf %tanh3A_764, %tanh3A_764 : vector<25600xf32>
    %mul3A_766 = vector.broadcast %mul3A_757 : f32 to vector<25600xf32>
    %mul3A_767 = arith.mulf %mul3A_766, %mul3A_765 : vector<25600xf32>
    %add3A_768 = arith.addf %add3A_751, %mul3A_767 : vector<25600xf32>
    %add3A_769 = arith.addf %add3A_752, %mul3A_757 : f32
    %get3A_770 = arith.constant 45 : index
    %get3A_771 = memref.load %arg5[%get3A_770] : memref<64xf32, #tpu.memory_space<smem>>
    %get3A_772 = arith.constant 45 : index
    %get3A_773 = memref.load %arg7[%get3A_772] : memref<64xf32, #tpu.memory_space<smem>>
    %mul3A_774 = arith.mulf %get3A_771, %get3A_773 : f32
    %mul3A_775 = vector.broadcast %get3A_771 : f32 to vector<25600xf32>
    %mul3A_776 = arith.mulf %mul3A, %mul3A_775 : vector<25600xf32>
    %get3A_777 = arith.constant 45 : index
    %get3A_778 = memref.load %arg6[%get3A_777] : memref<64xf32, #tpu.memory_space<smem>>
    %add3A_779 = vector.broadcast %get3A_778 : f32 to vector<25600xf32>
    %add3A_780 = arith.addf %mul3A_776, %add3A_779 : vector<25600xf32>
    %tanh3A_781 = math.tanh %add3A_780 : vector<25600xf32>
    %mul3A_782 = arith.mulf %tanh3A_781, %tanh3A_781 : vector<25600xf32>
    %mul3A_783 = vector.broadcast %mul3A_774 : f32 to vector<25600xf32>
    %mul3A_784 = arith.mulf %mul3A_783, %mul3A_782 : vector<25600xf32>
    %add3A_785 = arith.addf %add3A_768, %mul3A_784 : vector<25600xf32>
    %add3A_786 = arith.addf %add3A_769, %mul3A_774 : f32
    %get3A_787 = arith.constant 46 : index
    %get3A_788 = memref.load %arg5[%get3A_787] : memref<64xf32, #tpu.memory_space<smem>>
    %get3A_789 = arith.constant 46 : index
    %get3A_790 = memref.load %arg7[%get3A_789] : memref<64xf32, #tpu.memory_space<smem>>
    %mul3A_791 = arith.mulf %get3A_788, %get3A_790 : f32
    %mul3A_792 = vector.broadcast %get3A_788 : f32 to vector<25600xf32>
    %mul3A_793 = arith.mulf %mul3A, %mul3A_792 : vector<25600xf32>
    %get3A_794 = arith.constant 46 : index
    %get3A_795 = memref.load %arg6[%get3A_794] : memref<64xf32, #tpu.memory_space<smem>>
    %add3A_796 = vector.broadcast %get3A_795 : f32 to vector<25600xf32>
    %add3A_797 = arith.addf %mul3A_793, %add3A_796 : vector<25600xf32>
    %tanh3A_798 = math.tanh %add3A_797 : vector<25600xf32>
    %mul3A_799 = arith.mulf %tanh3A_798, %tanh3A_798 : vector<25600xf32>
    %mul3A_800 = vector.broadcast %mul3A_791 : f32 to vector<25600xf32>
    %mul3A_801 = arith.mulf %mul3A_800, %mul3A_799 : vector<25600xf32>
    %add3A_802 = arith.addf %add3A_785, %mul3A_801 : vector<25600xf32>
    %add3A_803 = arith.addf %add3A_786, %mul3A_791 : f32
    %get3A_804 = arith.constant 47 : index
    %get3A_805 = memref.load %arg5[%get3A_804] : memref<64xf32, #tpu.memory_space<smem>>
    %get3A_806 = arith.constant 47 : index
    %get3A_807 = memref.load %arg7[%get3A_806] : memref<64xf32, #tpu.memory_space<smem>>
    %mul3A_808 = arith.mulf %get3A_805, %get3A_807 : f32
    %mul3A_809 = vector.broadcast %get3A_805 : f32 to vector<25600xf32>
    %mul3A_810 = arith.mulf %mul3A, %mul3A_809 : vector<25600xf32>
    %get3A_811 = arith.constant 47 : index
    %get3A_812 = memref.load %arg6[%get3A_811] : memref<64xf32, #tpu.memory_space<smem>>
    %add3A_813 = vector.broadcast %get3A_812 : f32 to vector<25600xf32>
    %add3A_814 = arith.addf %mul3A_810, %add3A_813 : vector<25600xf32>
    %tanh3A_815 = math.tanh %add3A_814 : vector<25600xf32>
    %mul3A_816 = arith.mulf %tanh3A_815, %tanh3A_815 : vector<25600xf32>
    %mul3A_817 = vector.broadcast %mul3A_808 : f32 to vector<25600xf32>
    %mul3A_818 = arith.mulf %mul3A_817, %mul3A_816 : vector<25600xf32>
    %add3A_819 = arith.addf %add3A_802, %mul3A_818 : vector<25600xf32>
    %add3A_820 = arith.addf %add3A_803, %mul3A_808 : f32
    %get3A_821 = arith.constant 48 : index
    %get3A_822 = memref.load %arg5[%get3A_821] : memref<64xf32, #tpu.memory_space<smem>>
    %get3A_823 = arith.constant 48 : index
    %get3A_824 = memref.load %arg7[%get3A_823] : memref<64xf32, #tpu.memory_space<smem>>
    %mul3A_825 = arith.mulf %get3A_822, %get3A_824 : f32
    %mul3A_826 = vector.broadcast %get3A_822 : f32 to vector<25600xf32>
    %mul3A_827 = arith.mulf %mul3A, %mul3A_826 : vector<25600xf32>
    %get3A_828 = arith.constant 48 : index
    %get3A_829 = memref.load %arg6[%get3A_828] : memref<64xf32, #tpu.memory_space<smem>>
    %add3A_830 = vector.broadcast %get3A_829 : f32 to vector<25600xf32>
    %add3A_831 = arith.addf %mul3A_827, %add3A_830 : vector<25600xf32>
    %tanh3A_832 = math.tanh %add3A_831 : vector<25600xf32>
    %mul3A_833 = arith.mulf %tanh3A_832, %tanh3A_832 : vector<25600xf32>
    %mul3A_834 = vector.broadcast %mul3A_825 : f32 to vector<25600xf32>
    %mul3A_835 = arith.mulf %mul3A_834, %mul3A_833 : vector<25600xf32>
    %add3A_836 = arith.addf %add3A_819, %mul3A_835 : vector<25600xf32>
    %add3A_837 = arith.addf %add3A_820, %mul3A_825 : f32
    %get3A_838 = arith.constant 49 : index
    %get3A_839 = memref.load %arg5[%get3A_838] : memref<64xf32, #tpu.memory_space<smem>>
    %get3A_840 = arith.constant 49 : index
    %get3A_841 = memref.load %arg7[%get3A_840] : memref<64xf32, #tpu.memory_space<smem>>
    %mul3A_842 = arith.mulf %get3A_839, %get3A_841 : f32
    %mul3A_843 = vector.broadcast %get3A_839 : f32 to vector<25600xf32>
    %mul3A_844 = arith.mulf %mul3A, %mul3A_843 : vector<25600xf32>
    %get3A_845 = arith.constant 49 : index
    %get3A_846 = memref.load %arg6[%get3A_845] : memref<64xf32, #tpu.memory_space<smem>>
    %add3A_847 = vector.broadcast %get3A_846 : f32 to vector<25600xf32>
    %add3A_848 = arith.addf %mul3A_844, %add3A_847 : vector<25600xf32>
    %tanh3A_849 = math.tanh %add3A_848 : vector<25600xf32>
    %mul3A_850 = arith.mulf %tanh3A_849, %tanh3A_849 : vector<25600xf32>
    %mul3A_851 = vector.broadcast %mul3A_842 : f32 to vector<25600xf32>
    %mul3A_852 = arith.mulf %mul3A_851, %mul3A_850 : vector<25600xf32>
    %add3A_853 = arith.addf %add3A_836, %mul3A_852 : vector<25600xf32>
    %add3A_854 = arith.addf %add3A_837, %mul3A_842 : f32
    %get3A_855 = arith.constant 50 : index
    %get3A_856 = memref.load %arg5[%get3A_855] : memref<64xf32, #tpu.memory_space<smem>>
    %get3A_857 = arith.constant 50 : index
    %get3A_858 = memref.load %arg7[%get3A_857] : memref<64xf32, #tpu.memory_space<smem>>
    %mul3A_859 = arith.mulf %get3A_856, %get3A_858 : f32
    %mul3A_860 = vector.broadcast %get3A_856 : f32 to vector<25600xf32>
    %mul3A_861 = arith.mulf %mul3A, %mul3A_860 : vector<25600xf32>
    %get3A_862 = arith.constant 50 : index
    %get3A_863 = memref.load %arg6[%get3A_862] : memref<64xf32, #tpu.memory_space<smem>>
    %add3A_864 = vector.broadcast %get3A_863 : f32 to vector<25600xf32>
    %add3A_865 = arith.addf %mul3A_861, %add3A_864 : vector<25600xf32>
    %tanh3A_866 = math.tanh %add3A_865 : vector<25600xf32>
    %mul3A_867 = arith.mulf %tanh3A_866, %tanh3A_866 : vector<25600xf32>
    %mul3A_868 = vector.broadcast %mul3A_859 : f32 to vector<25600xf32>
    %mul3A_869 = arith.mulf %mul3A_868, %mul3A_867 : vector<25600xf32>
    %add3A_870 = arith.addf %add3A_853, %mul3A_869 : vector<25600xf32>
    %add3A_871 = arith.addf %add3A_854, %mul3A_859 : f32
    %get3A_872 = arith.constant 51 : index
    %get3A_873 = memref.load %arg5[%get3A_872] : memref<64xf32, #tpu.memory_space<smem>>
    %get3A_874 = arith.constant 51 : index
    %get3A_875 = memref.load %arg7[%get3A_874] : memref<64xf32, #tpu.memory_space<smem>>
    %mul3A_876 = arith.mulf %get3A_873, %get3A_875 : f32
    %mul3A_877 = vector.broadcast %get3A_873 : f32 to vector<25600xf32>
    %mul3A_878 = arith.mulf %mul3A, %mul3A_877 : vector<25600xf32>
    %get3A_879 = arith.constant 51 : index
    %get3A_880 = memref.load %arg6[%get3A_879] : memref<64xf32, #tpu.memory_space<smem>>
    %add3A_881 = vector.broadcast %get3A_880 : f32 to vector<25600xf32>
    %add3A_882 = arith.addf %mul3A_878, %add3A_881 : vector<25600xf32>
    %tanh3A_883 = math.tanh %add3A_882 : vector<25600xf32>
    %mul3A_884 = arith.mulf %tanh3A_883, %tanh3A_883 : vector<25600xf32>
    %mul3A_885 = vector.broadcast %mul3A_876 : f32 to vector<25600xf32>
    %mul3A_886 = arith.mulf %mul3A_885, %mul3A_884 : vector<25600xf32>
    %add3A_887 = arith.addf %add3A_870, %mul3A_886 : vector<25600xf32>
    %add3A_888 = arith.addf %add3A_871, %mul3A_876 : f32
    %get3A_889 = arith.constant 52 : index
    %get3A_890 = memref.load %arg5[%get3A_889] : memref<64xf32, #tpu.memory_space<smem>>
    %get3A_891 = arith.constant 52 : index
    %get3A_892 = memref.load %arg7[%get3A_891] : memref<64xf32, #tpu.memory_space<smem>>
    %mul3A_893 = arith.mulf %get3A_890, %get3A_892 : f32
    %mul3A_894 = vector.broadcast %get3A_890 : f32 to vector<25600xf32>
    %mul3A_895 = arith.mulf %mul3A, %mul3A_894 : vector<25600xf32>
    %get3A_896 = arith.constant 52 : index
    %get3A_897 = memref.load %arg6[%get3A_896] : memref<64xf32, #tpu.memory_space<smem>>
    %add3A_898 = vector.broadcast %get3A_897 : f32 to vector<25600xf32>
    %add3A_899 = arith.addf %mul3A_895, %add3A_898 : vector<25600xf32>
    %tanh3A_900 = math.tanh %add3A_899 : vector<25600xf32>
    %mul3A_901 = arith.mulf %tanh3A_900, %tanh3A_900 : vector<25600xf32>
    %mul3A_902 = vector.broadcast %mul3A_893 : f32 to vector<25600xf32>
    %mul3A_903 = arith.mulf %mul3A_902, %mul3A_901 : vector<25600xf32>
    %add3A_904 = arith.addf %add3A_887, %mul3A_903 : vector<25600xf32>
    %add3A_905 = arith.addf %add3A_888, %mul3A_893 : f32
    %get3A_906 = arith.constant 53 : index
    %get3A_907 = memref.load %arg5[%get3A_906] : memref<64xf32, #tpu.memory_space<smem>>
    %get3A_908 = arith.constant 53 : index
    %get3A_909 = memref.load %arg7[%get3A_908] : memref<64xf32, #tpu.memory_space<smem>>
    %mul3A_910 = arith.mulf %get3A_907, %get3A_909 : f32
    %mul3A_911 = vector.broadcast %get3A_907 : f32 to vector<25600xf32>
    %mul3A_912 = arith.mulf %mul3A, %mul3A_911 : vector<25600xf32>
    %get3A_913 = arith.constant 53 : index
    %get3A_914 = memref.load %arg6[%get3A_913] : memref<64xf32, #tpu.memory_space<smem>>
    %add3A_915 = vector.broadcast %get3A_914 : f32 to vector<25600xf32>
    %add3A_916 = arith.addf %mul3A_912, %add3A_915 : vector<25600xf32>
    %tanh3A_917 = math.tanh %add3A_916 : vector<25600xf32>
    %mul3A_918 = arith.mulf %tanh3A_917, %tanh3A_917 : vector<25600xf32>
    %mul3A_919 = vector.broadcast %mul3A_910 : f32 to vector<25600xf32>
    %mul3A_920 = arith.mulf %mul3A_919, %mul3A_918 : vector<25600xf32>
    %add3A_921 = arith.addf %add3A_904, %mul3A_920 : vector<25600xf32>
    %add3A_922 = arith.addf %add3A_905, %mul3A_910 : f32
    %get3A_923 = arith.constant 54 : index
    %get3A_924 = memref.load %arg5[%get3A_923] : memref<64xf32, #tpu.memory_space<smem>>
    %get3A_925 = arith.constant 54 : index
    %get3A_926 = memref.load %arg7[%get3A_925] : memref<64xf32, #tpu.memory_space<smem>>
    %mul3A_927 = arith.mulf %get3A_924, %get3A_926 : f32
    %mul3A_928 = vector.broadcast %get3A_924 : f32 to vector<25600xf32>
    %mul3A_929 = arith.mulf %mul3A, %mul3A_928 : vector<25600xf32>
    %get3A_930 = arith.constant 54 : index
    %get3A_931 = memref.load %arg6[%get3A_930] : memref<64xf32, #tpu.memory_space<smem>>
    %add3A_932 = vector.broadcast %get3A_931 : f32 to vector<25600xf32>
    %add3A_933 = arith.addf %mul3A_929, %add3A_932 : vector<25600xf32>
    %tanh3A_934 = math.tanh %add3A_933 : vector<25600xf32>
    %mul3A_935 = arith.mulf %tanh3A_934, %tanh3A_934 : vector<25600xf32>
    %mul3A_936 = vector.broadcast %mul3A_927 : f32 to vector<25600xf32>
    %mul3A_937 = arith.mulf %mul3A_936, %mul3A_935 : vector<25600xf32>
    %add3A_938 = arith.addf %add3A_921, %mul3A_937 : vector<25600xf32>
    %add3A_939 = arith.addf %add3A_922, %mul3A_927 : f32
    %get3A_940 = arith.constant 55 : index
    %get3A_941 = memref.load %arg5[%get3A_940] : memref<64xf32, #tpu.memory_space<smem>>
    %get3A_942 = arith.constant 55 : index
    %get3A_943 = memref.load %arg7[%get3A_942] : memref<64xf32, #tpu.memory_space<smem>>
    %mul3A_944 = arith.mulf %get3A_941, %get3A_943 : f32
    %mul3A_945 = vector.broadcast %get3A_941 : f32 to vector<25600xf32>
    %mul3A_946 = arith.mulf %mul3A, %mul3A_945 : vector<25600xf32>
    %get3A_947 = arith.constant 55 : index
    %get3A_948 = memref.load %arg6[%get3A_947] : memref<64xf32, #tpu.memory_space<smem>>
    %add3A_949 = vector.broadcast %get3A_948 : f32 to vector<25600xf32>
    %add3A_950 = arith.addf %mul3A_946, %add3A_949 : vector<25600xf32>
    %tanh3A_951 = math.tanh %add3A_950 : vector<25600xf32>
    %mul3A_952 = arith.mulf %tanh3A_951, %tanh3A_951 : vector<25600xf32>
    %mul3A_953 = vector.broadcast %mul3A_944 : f32 to vector<25600xf32>
    %mul3A_954 = arith.mulf %mul3A_953, %mul3A_952 : vector<25600xf32>
    %add3A_955 = arith.addf %add3A_938, %mul3A_954 : vector<25600xf32>
    %add3A_956 = arith.addf %add3A_939, %mul3A_944 : f32
    %get3A_957 = arith.constant 56 : index
    %get3A_958 = memref.load %arg5[%get3A_957] : memref<64xf32, #tpu.memory_space<smem>>
    %get3A_959 = arith.constant 56 : index
    %get3A_960 = memref.load %arg7[%get3A_959] : memref<64xf32, #tpu.memory_space<smem>>
    %mul3A_961 = arith.mulf %get3A_958, %get3A_960 : f32
    %mul3A_962 = vector.broadcast %get3A_958 : f32 to vector<25600xf32>
    %mul3A_963 = arith.mulf %mul3A, %mul3A_962 : vector<25600xf32>
    %get3A_964 = arith.constant 56 : index
    %get3A_965 = memref.load %arg6[%get3A_964] : memref<64xf32, #tpu.memory_space<smem>>
    %add3A_966 = vector.broadcast %get3A_965 : f32 to vector<25600xf32>
    %add3A_967 = arith.addf %mul3A_963, %add3A_966 : vector<25600xf32>
    %tanh3A_968 = math.tanh %add3A_967 : vector<25600xf32>
    %mul3A_969 = arith.mulf %tanh3A_968, %tanh3A_968 : vector<25600xf32>
    %mul3A_970 = vector.broadcast %mul3A_961 : f32 to vector<25600xf32>
    %mul3A_971 = arith.mulf %mul3A_970, %mul3A_969 : vector<25600xf32>
    %add3A_972 = arith.addf %add3A_955, %mul3A_971 : vector<25600xf32>
    %add3A_973 = arith.addf %add3A_956, %mul3A_961 : f32
    %get3A_974 = arith.constant 57 : index
    %get3A_975 = memref.load %arg5[%get3A_974] : memref<64xf32, #tpu.memory_space<smem>>
    %get3A_976 = arith.constant 57 : index
    %get3A_977 = memref.load %arg7[%get3A_976] : memref<64xf32, #tpu.memory_space<smem>>
    %mul3A_978 = arith.mulf %get3A_975, %get3A_977 : f32
    %mul3A_979 = vector.broadcast %get3A_975 : f32 to vector<25600xf32>
    %mul3A_980 = arith.mulf %mul3A, %mul3A_979 : vector<25600xf32>
    %get3A_981 = arith.constant 57 : index
    %get3A_982 = memref.load %arg6[%get3A_981] : memref<64xf32, #tpu.memory_space<smem>>
    %add3A_983 = vector.broadcast %get3A_982 : f32 to vector<25600xf32>
    %add3A_984 = arith.addf %mul3A_980, %add3A_983 : vector<25600xf32>
    %tanh3A_985 = math.tanh %add3A_984 : vector<25600xf32>
    %mul3A_986 = arith.mulf %tanh3A_985, %tanh3A_985 : vector<25600xf32>
    %mul3A_987 = vector.broadcast %mul3A_978 : f32 to vector<25600xf32>
    %mul3A_988 = arith.mulf %mul3A_987, %mul3A_986 : vector<25600xf32>
    %add3A_989 = arith.addf %add3A_972, %mul3A_988 : vector<25600xf32>
    %add3A_990 = arith.addf %add3A_973, %mul3A_978 : f32
    %get3A_991 = arith.constant 58 : index
    %get3A_992 = memref.load %arg5[%get3A_991] : memref<64xf32, #tpu.memory_space<smem>>
    %get3A_993 = arith.constant 58 : index
    %get3A_994 = memref.load %arg7[%get3A_993] : memref<64xf32, #tpu.memory_space<smem>>
    %mul3A_995 = arith.mulf %get3A_992, %get3A_994 : f32
    %mul3A_996 = vector.broadcast %get3A_992 : f32 to vector<25600xf32>
    %mul3A_997 = arith.mulf %mul3A, %mul3A_996 : vector<25600xf32>
    %get3A_998 = arith.constant 58 : index
    %get3A_999 = memref.load %arg6[%get3A_998] : memref<64xf32, #tpu.memory_space<smem>>
    %add3A_1000 = vector.broadcast %get3A_999 : f32 to vector<25600xf32>
    %add3A_1001 = arith.addf %mul3A_997, %add3A_1000 : vector<25600xf32>
    %tanh3A_1002 = math.tanh %add3A_1001 : vector<25600xf32>
    %mul3A_1003 = arith.mulf %tanh3A_1002, %tanh3A_1002 : vector<25600xf32>
    %mul3A_1004 = vector.broadcast %mul3A_995 : f32 to vector<25600xf32>
    %mul3A_1005 = arith.mulf %mul3A_1004, %mul3A_1003 : vector<25600xf32>
    %add3A_1006 = arith.addf %add3A_989, %mul3A_1005 : vector<25600xf32>
    %add3A_1007 = arith.addf %add3A_990, %mul3A_995 : f32
    %get3A_1008 = arith.constant 59 : index
    %get3A_1009 = memref.load %arg5[%get3A_1008] : memref<64xf32, #tpu.memory_space<smem>>
    %get3A_1010 = arith.constant 59 : index
    %get3A_1011 = memref.load %arg7[%get3A_1010] : memref<64xf32, #tpu.memory_space<smem>>
    %mul3A_1012 = arith.mulf %get3A_1009, %get3A_1011 : f32
    %mul3A_1013 = vector.broadcast %get3A_1009 : f32 to vector<25600xf32>
    %mul3A_1014 = arith.mulf %mul3A, %mul3A_1013 : vector<25600xf32>
    %get3A_1015 = arith.constant 59 : index
    %get3A_1016 = memref.load %arg6[%get3A_1015] : memref<64xf32, #tpu.memory_space<smem>>
    %add3A_1017 = vector.broadcast %get3A_1016 : f32 to vector<25600xf32>
    %add3A_1018 = arith.addf %mul3A_1014, %add3A_1017 : vector<25600xf32>
    %tanh3A_1019 = math.tanh %add3A_1018 : vector<25600xf32>
    %mul3A_1020 = arith.mulf %tanh3A_1019, %tanh3A_1019 : vector<25600xf32>
    %mul3A_1021 = vector.broadcast %mul3A_1012 : f32 to vector<25600xf32>
    %mul3A_1022 = arith.mulf %mul3A_1021, %mul3A_1020 : vector<25600xf32>
    %add3A_1023 = arith.addf %add3A_1006, %mul3A_1022 : vector<25600xf32>
    %add3A_1024 = arith.addf %add3A_1007, %mul3A_1012 : f32
    %get3A_1025 = arith.constant 60 : index
    %get3A_1026 = memref.load %arg5[%get3A_1025] : memref<64xf32, #tpu.memory_space<smem>>
    %get3A_1027 = arith.constant 60 : index
    %get3A_1028 = memref.load %arg7[%get3A_1027] : memref<64xf32, #tpu.memory_space<smem>>
    %mul3A_1029 = arith.mulf %get3A_1026, %get3A_1028 : f32
    %mul3A_1030 = vector.broadcast %get3A_1026 : f32 to vector<25600xf32>
    %mul3A_1031 = arith.mulf %mul3A, %mul3A_1030 : vector<25600xf32>
    %get3A_1032 = arith.constant 60 : index
    %get3A_1033 = memref.load %arg6[%get3A_1032] : memref<64xf32, #tpu.memory_space<smem>>
    %add3A_1034 = vector.broadcast %get3A_1033 : f32 to vector<25600xf32>
    %add3A_1035 = arith.addf %mul3A_1031, %add3A_1034 : vector<25600xf32>
    %tanh3A_1036 = math.tanh %add3A_1035 : vector<25600xf32>
    %mul3A_1037 = arith.mulf %tanh3A_1036, %tanh3A_1036 : vector<25600xf32>
    %mul3A_1038 = vector.broadcast %mul3A_1029 : f32 to vector<25600xf32>
    %mul3A_1039 = arith.mulf %mul3A_1038, %mul3A_1037 : vector<25600xf32>
    %add3A_1040 = arith.addf %add3A_1023, %mul3A_1039 : vector<25600xf32>
    %add3A_1041 = arith.addf %add3A_1024, %mul3A_1029 : f32
    %get3A_1042 = arith.constant 61 : index
    %get3A_1043 = memref.load %arg5[%get3A_1042] : memref<64xf32, #tpu.memory_space<smem>>
    %get3A_1044 = arith.constant 61 : index
    %get3A_1045 = memref.load %arg7[%get3A_1044] : memref<64xf32, #tpu.memory_space<smem>>
    %mul3A_1046 = arith.mulf %get3A_1043, %get3A_1045 : f32
    %mul3A_1047 = vector.broadcast %get3A_1043 : f32 to vector<25600xf32>
    %mul3A_1048 = arith.mulf %mul3A, %mul3A_1047 : vector<25600xf32>
    %get3A_1049 = arith.constant 61 : index
    %get3A_1050 = memref.load %arg6[%get3A_1049] : memref<64xf32, #tpu.memory_space<smem>>
    %add3A_1051 = vector.broadcast %get3A_1050 : f32 to vector<25600xf32>
    %add3A_1052 = arith.addf %mul3A_1048, %add3A_1051 : vector<25600xf32>
    %tanh3A_1053 = math.tanh %add3A_1052 : vector<25600xf32>
    %mul3A_1054 = arith.mulf %tanh3A_1053, %tanh3A_1053 : vector<25600xf32>
    %mul3A_1055 = vector.broadcast %mul3A_1046 : f32 to vector<25600xf32>
    %mul3A_1056 = arith.mulf %mul3A_1055, %mul3A_1054 : vector<25600xf32>
    %add3A_1057 = arith.addf %add3A_1040, %mul3A_1056 : vector<25600xf32>
    %add3A_1058 = arith.addf %add3A_1041, %mul3A_1046 : f32
    %get3A_1059 = arith.constant 62 : index
    %get3A_1060 = memref.load %arg5[%get3A_1059] : memref<64xf32, #tpu.memory_space<smem>>
    %get3A_1061 = arith.constant 62 : index
    %get3A_1062 = memref.load %arg7[%get3A_1061] : memref<64xf32, #tpu.memory_space<smem>>
    %mul3A_1063 = arith.mulf %get3A_1060, %get3A_1062 : f32
    %mul3A_1064 = vector.broadcast %get3A_1060 : f32 to vector<25600xf32>
    %mul3A_1065 = arith.mulf %mul3A, %mul3A_1064 : vector<25600xf32>
    %get3A_1066 = arith.constant 62 : index
    %get3A_1067 = memref.load %arg6[%get3A_1066] : memref<64xf32, #tpu.memory_space<smem>>
    %add3A_1068 = vector.broadcast %get3A_1067 : f32 to vector<25600xf32>
    %add3A_1069 = arith.addf %mul3A_1065, %add3A_1068 : vector<25600xf32>
    %tanh3A_1070 = math.tanh %add3A_1069 : vector<25600xf32>
    %mul3A_1071 = arith.mulf %tanh3A_1070, %tanh3A_1070 : vector<25600xf32>
    %mul3A_1072 = vector.broadcast %mul3A_1063 : f32 to vector<25600xf32>
    %mul3A_1073 = arith.mulf %mul3A_1072, %mul3A_1071 : vector<25600xf32>
    %add3A_1074 = arith.addf %add3A_1057, %mul3A_1073 : vector<25600xf32>
    %add3A_1075 = arith.addf %add3A_1058, %mul3A_1063 : f32
    %get3A_1076 = arith.constant 63 : index
    %get3A_1077 = memref.load %arg5[%get3A_1076] : memref<64xf32, #tpu.memory_space<smem>>
    %get3A_1078 = arith.constant 63 : index
    %get3A_1079 = memref.load %arg7[%get3A_1078] : memref<64xf32, #tpu.memory_space<smem>>
    %mul3A_1080 = arith.mulf %get3A_1077, %get3A_1079 : f32
    %mul3A_1081 = vector.broadcast %get3A_1077 : f32 to vector<25600xf32>
    %mul3A_1082 = arith.mulf %mul3A, %mul3A_1081 : vector<25600xf32>
    %get3A_1083 = arith.constant 63 : index
    %get3A_1084 = memref.load %arg6[%get3A_1083] : memref<64xf32, #tpu.memory_space<smem>>
    %add3A_1085 = vector.broadcast %get3A_1084 : f32 to vector<25600xf32>
    %add3A_1086 = arith.addf %mul3A_1082, %add3A_1085 : vector<25600xf32>
    %tanh3A_1087 = math.tanh %add3A_1086 : vector<25600xf32>
    %mul3A_1088 = arith.mulf %tanh3A_1087, %tanh3A_1087 : vector<25600xf32>
    %mul3A_1089 = vector.broadcast %mul3A_1080 : f32 to vector<25600xf32>
    %mul3A_1090 = arith.mulf %mul3A_1089, %mul3A_1088 : vector<25600xf32>
    %add3A_1091 = arith.addf %add3A_1074, %mul3A_1090 : vector<25600xf32>
    %add3A_1092 = arith.addf %add3A_1075, %mul3A_1080 : f32
    %sub3A = vector.broadcast %add3A_1092 : f32 to vector<25600xf32>
    %sub3A_1093 = arith.subf %sub3A, %add3A_1091 : vector<25600xf32>
    %mul3A_1094 = arith.mulf %sub3A_1093, %rsqrt3A : vector<25600xf32>
    %get3A_1095 = arith.constant 1 : index
    %get3A_1096 = memref.load %arg12[%get3A_1095] : memref<4xf32, #tpu.memory_space<smem>>
    %get3A_1097 = arith.constant 0 : index
    %get3A_1098 = vector.load %arg2[%get3A_1097] : memref<25600xf32, #tpu.memory_space<vmem>>, vector<25600xf32>
    %mul3A_1099 = arith.mulf %mul3A_1094, %get3A_1098 : vector<25600xf32>
    %reduce_sum3A = vector.shape_cast %mul3A_1099 : vector<25600xf32> to vector<1x25600xf32>
    %reduce_sum3A_1100 = arith.constant dense<0.000000e+00> : vector<1xf32>
    %reduce_sum3A_1101 = vector.multi_reduction <add>, %reduce_sum3A, %reduce_sum3A_1100 [1] : vector<1x25600xf32> to vector<1xf32>
    %reduce_sum3A_1102 = vector.shape_cast %reduce_sum3A_1101 : vector<1xf32> to vector<1x1xf32>
    %reduce_sum3A_1103 = vector.extract %reduce_sum3A_1102[0, 0] : f32 from vector<1x1xf32>
    %add3A_1104 = arith.addf %get3A_1096, %reduce_sum3A_1103 : f32
    %swap3A = arith.constant 1 : index
    %swap3A_1105 = memref.load %arg12[%swap3A] : memref<4xf32, #tpu.memory_space<smem>>
    memref.store %add3A_1104, %arg12[%swap3A] : memref<4xf32, #tpu.memory_space<smem>>
    %get3A_1106 = arith.constant 2 : index
    %get3A_1107 = memref.load %arg12[%get3A_1106] : memref<4xf32, #tpu.memory_space<smem>>
    %get3A_1108 = arith.constant 0 : index
    %get3A_1109 = vector.load %arg3[%get3A_1108] : memref<25600xf32, #tpu.memory_space<vmem>>, vector<25600xf32>
    %mul3A_1110 = arith.mulf %mul3A_1094, %get3A_1109 : vector<25600xf32>
    %reduce_sum3A_1111 = vector.shape_cast %mul3A_1110 : vector<25600xf32> to vector<1x25600xf32>
    %reduce_sum3A_1112 = arith.constant dense<0.000000e+00> : vector<1xf32>
    %reduce_sum3A_1113 = vector.multi_reduction <add>, %reduce_sum3A_1111, %reduce_sum3A_1112 [1] : vector<1x25600xf32> to vector<1xf32>
    %reduce_sum3A_1114 = vector.shape_cast %reduce_sum3A_1113 : vector<1xf32> to vector<1x1xf32>
    %reduce_sum3A_1115 = vector.extract %reduce_sum3A_1114[0, 0] : f32 from vector<1x1xf32>
    %add3A_1116 = arith.addf %get3A_1107, %reduce_sum3A_1115 : f32
    %swap3A_1117 = arith.constant 2 : index
    %swap3A_1118 = memref.load %arg12[%swap3A_1117] : memref<4xf32, #tpu.memory_space<smem>>
    memref.store %add3A_1116, %arg12[%swap3A_1117] : memref<4xf32, #tpu.memory_space<smem>>
    %get3A_1119 = arith.constant 3 : index
    %get3A_1120 = memref.load %arg12[%get3A_1119] : memref<4xf32, #tpu.memory_space<smem>>
    %get3A_1121 = arith.constant 0 : index
    %get3A_1122 = vector.load %arg4[%get3A_1121] : memref<25600xf32, #tpu.memory_space<vmem>>, vector<25600xf32>
    %mul3A_1123 = arith.mulf %mul3A_1094, %get3A_1122 : vector<25600xf32>
    %reduce_sum3A_1124 = vector.shape_cast %mul3A_1123 : vector<25600xf32> to vector<1x25600xf32>
    %reduce_sum3A_1125 = arith.constant dense<0.000000e+00> : vector<1xf32>
    %reduce_sum3A_1126 = vector.multi_reduction <add>, %reduce_sum3A_1124, %reduce_sum3A_1125 [1] : vector<1x25600xf32> to vector<1xf32>
    %reduce_sum3A_1127 = vector.shape_cast %reduce_sum3A_1126 : vector<1xf32> to vector<1x1xf32>
    %reduce_sum3A_1128 = vector.extract %reduce_sum3A_1127[0, 0] : f32 from vector<1x1xf32>
    %add3A_1129 = arith.addf %get3A_1120, %reduce_sum3A_1128 : f32
    %swap3A_1130 = arith.constant 3 : index
    %swap3A_1131 = memref.load %arg12[%swap3A_1130] : memref<4xf32, #tpu.memory_space<smem>>
    memref.store %add3A_1129, %arg12[%swap3A_1130] : memref<4xf32, #tpu.memory_space<smem>>
    %eq3A_1132 = arith.constant 124 : i32
    %eq3A_1133 = arith.cmpi eq, %arg0, %eq3A_1132 : i32
    %convert_element_type3A_1134 = arith.extui %eq3A_1133 : i1 to i32
    %cond3A_1135 = arith.constant 0 : i32
    %cond3A_1136 = arith.cmpi ne, %convert_element_type3A_1134, %cond3A_1135 : i32
    scf.if %cond3A_1136 {
      %get3A_1137 = arith.constant 0 : index
      %get3A_1138 = memref.load %arg8[%get3A_1137] : memref<3xf32, #tpu.memory_space<smem>>
      %get3A_1139 = arith.constant 1 : index
      %get3A_1140 = memref.load %arg8[%get3A_1139] : memref<3xf32, #tpu.memory_space<smem>>
      %get3A_1141 = arith.constant 2 : index
      %get3A_1142 = memref.load %arg8[%get3A_1141] : memref<3xf32, #tpu.memory_space<smem>>
      %mul3A_1143 = arith.mulf %get3A_1138, %get3A_1140 : f32
      %mul3A_1144 = arith.mulf %mul3A_1143, %get3A_1142 : f32
      %get3A_1145 = arith.constant 0 : index
      %get3A_1146 = memref.load %arg12[%get3A_1145] : memref<4xf32, #tpu.memory_space<smem>>
      %div3A = arith.constant 1.500000e+05 : f32
      %div3A_1147 = arith.divf %get3A_1146, %div3A : f32
      %mul3A_1148 = arith.constant 1.000000e+05 : f32
      %mul3A_1149 = arith.mulf %mul3A_1148, %div3A_1147 : f32
      %div3A_1150 = arith.divf %mul3A_1149, %mul3A_1144 : f32
      %mul3A_1151 = arith.mulf %get3A_1138, %get3A_1140 : f32
      %div3A_1152 = arith.constant 1.000000e+00 : f32
      %div3A_1153 = arith.divf %div3A_1152, %mul3A_1151 : f32
      %get3A_1154 = arith.constant 1 : index
      %get3A_1155 = memref.load %arg12[%get3A_1154] : memref<4xf32, #tpu.memory_space<smem>>
      %mul3A_1156 = arith.mulf %get3A_1155, %div3A_1153 : f32
      %add3A_1157 = arith.addf %div3A_1150, %mul3A_1156 : f32
      %swap3A_1158 = arith.constant 0 : index
      %swap3A_1159 = memref.load %arg11[%swap3A_1158] : memref<3xf32, #tpu.memory_space<smem>>
      memref.store %add3A_1157, %arg11[%swap3A_1158] : memref<3xf32, #tpu.memory_space<smem>>
      %get3A_1160 = arith.constant 2 : index
      %get3A_1161 = memref.load %arg12[%get3A_1160] : memref<4xf32, #tpu.memory_space<smem>>
      %mul3A_1162 = arith.mulf %get3A_1161, %div3A_1153 : f32
      %add3A_1163 = arith.addf %div3A_1150, %mul3A_1162 : f32
      %swap3A_1164 = arith.constant 1 : index
      %swap3A_1165 = memref.load %arg11[%swap3A_1164] : memref<3xf32, #tpu.memory_space<smem>>
      memref.store %add3A_1163, %arg11[%swap3A_1164] : memref<3xf32, #tpu.memory_space<smem>>
      %get3A_1166 = arith.constant 3 : index
      %get3A_1167 = memref.load %arg12[%get3A_1166] : memref<4xf32, #tpu.memory_space<smem>>
      %mul3A_1168 = arith.mulf %get3A_1167, %div3A_1153 : f32
      %add3A_1169 = arith.addf %div3A_1150, %mul3A_1168 : f32
      %swap3A_1170 = arith.constant 2 : index
      %swap3A_1171 = memref.load %arg11[%swap3A_1170] : memref<3xf32, #tpu.memory_space<smem>>
      memref.store %add3A_1169, %arg11[%swap3A_1170] : memref<3xf32, #tpu.memory_space<smem>>
    } else {
    }
    return
  }
  func.func @transform_0(%arg0: i32) -> i32 {
    %c0_i32 = arith.constant 0 : i32
    return %arg0 : i32
  }
  func.func @transform_1(%arg0: i32) -> i32 {
    %c0_i32 = arith.constant 0 : i32
    return %arg0 : i32
  }
  func.func @transform_2(%arg0: i32) -> i32 {
    %c0_i32 = arith.constant 0 : i32
    return %arg0 : i32
  }
  func.func @transform_3(%arg0: i32) -> i32 {
    %c0_i32 = arith.constant 0 : i32
    return %arg0 : i32
  }
  func.func @transform_4(%arg0: i32) -> i32 {
    %c0_i32 = arith.constant 0 : i32
    %c0_i32_0 = arith.constant 0 : i32
    return %c0_i32 : i32
  }
  func.func @transform_5(%arg0: i32) -> i32 {
    %c0_i32 = arith.constant 0 : i32
    %c0_i32_0 = arith.constant 0 : i32
    return %c0_i32 : i32
  }
  func.func @transform_6(%arg0: i32) -> i32 {
    %c0_i32 = arith.constant 0 : i32
    %c0_i32_0 = arith.constant 0 : i32
    return %c0_i32 : i32
  }
  func.func @transform_7(%arg0: i32) -> i32 {
    %c0_i32 = arith.constant 0 : i32
    %c0_i32_0 = arith.constant 0 : i32
    return %c0_i32 : i32
  }
  func.func @transform_8(%arg0: i32) -> (i32, i32) {
    %c0_i32 = arith.constant 0 : i32
    %c0_i32_0 = arith.constant 0 : i32
    %c0_i32_1 = arith.constant 0 : i32
    return %c0_i32, %c0_i32_0 : i32, i32
  }
  func.func @transform_9(%arg0: i32) -> (i32, i32) {
    %c0_i32 = arith.constant 0 : i32
    %c0_i32_0 = arith.constant 0 : i32
    %c0_i32_1 = arith.constant 0 : i32
    return %c0_i32, %c0_i32_0 : i32, i32
  }
  func.func @transform_10(%arg0: i32) -> i32 {
    %c0_i32 = arith.constant 0 : i32
    %c0_i32_0 = arith.constant 0 : i32
    return %c0_i32 : i32
  }
}

</mosaic_0001>

<sc_bundles>
// kernel: kernel.4.cloned.1.call-start
scs
__scs_entry_jumppad:
0x0: {  	(pc) =	sbr.rel $0x88, $3  }
0x1: {  	(tag) =	ssettag $0x0;
	lr =	simm.s32 $0x1  }
0x2: {  	[smem:$0x3F98] =	sst lr;
	_ =	strace $0xD0000000  }
0x3: {  	_ = 	snop  }
0x4: {  	_ = 	snop  }
0x5: {  	_ = 	snop  }
0x6: {  	_ = 	snop  }
0x7: {  	_ = 	snop  }
__scs_overlays_trampoline_lowered:
0x8: {  	[smem:$0x3FA7] =	sst s0  }
0x9: {  	[smem:$0x3FA8] =	sst s1  }
0xa: {  	[smem:$0x3FA9] =	sst s2  }
0xb: {  	[smem:$0x3FAA] =	sst s3  }
0xc: {  	[smem:$0x3FAB] =	sst s4  }
0xd: {  	[smem:$0x3FAC] =	sst s5  }
0xe: {  	[smem:$0x3FAD] =	sst s6  }
0xf: {  	[smem:$0x3FAE] =	sst s7  }
0x10: {  	[smem:$0x3FAF] =	sst s8  }
0x11: {  	[smem:$0x3FB0] =	sst s9;
	s0 =	simm.s32 @!p0 $0x0  }
0x12: {  	s1 =	sld [smem:$0x3F96];
	s0 =	simm.s32 @p0 $0x1  }
0x13: {  	[smem:$0x3FB1] =	sst s0;
	s0 =	simm.s32 @!p1 $0x0  }
0x14: {  	s2 =	sld [smem:$0x3F95];
	s0 =	simm.s32 @p1 $0x1  }
0x15: {  	[smem:$0x3FB2] =	sst s0;
	s0 =	simm.s32 @!p2 $0x0  }
0x16: {  	s3 =	sld [smem:$0x3FDB];
	s0 =	simm.s32 @p2 $0x1  }
0x17: {  	s4 =	simm.s32 $0x1BF5;
	[smem:$0x3FB4] =	sst s0  }
0x18: {  	s0 =	sld [smem:$0x3F97];
	_ =	swait.ge [sflag:s4], $0x0  }
0x19: {  	s7 =	sld [smem:$0x3F98]  }
0x1a: {  	s8 =	sadd.s32 $0xFFFFE003, lr  }
0x1b: {  	s9 =	sadd.s32 $0xFFFFFEF7, lr;
	s5 =	simm.s32 $0xFFFFFFFF;
	p2 =	slt.u32 s8, $0xFFFFF086  }
0x1c: {  	p1 =	slt.u32 s9, $0xF7A;
	s5 =	simm.s32 @!p2 $0x0  }
0x1d: {  	s5 =	simm.s32 @p1 $0x1;
	p0 =	seq.s32 s7, s2  }
0x1e: {  	s7 =	smul.u32 @!p0 $0xF7A, s2;
	p2 =	seq.s32 @!p0 s5, $0x0  }
0x1f: {  	s9 =	smul.u32 $0xF7A, s1;
	s8 =	simm.s32 @!p0 $0x1BF5;
	p2 =	por !p2, p0  }
0x20: {  	[sflag:s8] =	ssyncset.s32 @!p0 $0xFFFFF086;
	s6 =	sadd.s32 @!p0 s3, s7;
	s7 =	simm.s32 @!p0 $0x108  }
0x21: {  	s3 =	sadd.s32 s3, s9;
	s6 =	sadd.s32 @!p0 $0x88, s6;
	s7 =	simm.s32 @p2 $0x1082  }
0x22: {  	[simem:s7], [sflag:s8] =	dma.local @!p0 [hbm:s6], $0xF7A  }
0x23: {  	s9 =	sor.u32 $0xD0000000, s2;
	s6 =	simm.s32 $0x108;
	_ =	swait.ge @!p0 [sflag:s8], $0x0  }
0x24: {  	s3 =	sadd.s32 $0x88, s3;
	s6 =	simm.s32 @!p1 $0x1082;
	[sflag:s4] =	ssyncset.s32 $0xFFFFF086  }
0x25: {  	[simem:s6], [sflag:s4] =	dma.local [hbm:s3], $0xF7A  }
0x26: {  	[smem:$0x3F98] =	sst s1;
	(tag) =	ssettag s2;
	_ =	strace s9  }
0x27: {  	s1 =	sld [smem:$0x3FA8]  }
0x28: {  	s2 =	sld [smem:$0x3FA9]  }
0x29: {  	s4 =	sld [smem:$0x3FAB]  }
0x2a: {  	p0 =	seq.s32 s5, $0x0;
	s5 =	sld [smem:$0x3FAC]  }
0x2b: {  	s6 =	sld [smem:$0x3FAD]  }
0x2c: {  	s7 =	sld [smem:$0x3FAE]  }
0x2d: {  	s3 =	simm.s32 $0x108;
	s8 =	sld [smem:$0x3FAF]  }
0x2e: {  	s3 =	simm.s32 @!p0 $0x1082;
	s9 =	sld [smem:$0x3FB0]  }
0x2f: {  	lr =	sadd.s32 s0, s3;
	s0 =	sld [smem:$0x3FA7]  }
0x30: {  	s3 =	sld [smem:$0x3FAA]  }
0x31: {  	[smem:$0x3FB3] =	sst s10  }
0x32: {  	s10 =	sld [smem:$0x3FB1];
	_ =	sdelay $0x3  }
0x33: {  	p0 =	seq.s32 s10, $0x1;
	s10 =	sld [smem:$0x3FB3];
	_ =	sdelay $0x3  }
0x34: {  	[smem:$0x3FB3] =	sst s10  }
0x35: {  	s10 =	sld [smem:$0x3FB2];
	_ =	sdelay $0x3  }
0x36: {  	p1 =	seq.s32 s10, $0x1;
	s10 =	sld [smem:$0x3FB3];
	_ =	sdelay $0x3  }
0x37: {  	[smem:$0x3FB3] =	sst s10  }
0x38: {  	s10 =	sld [smem:$0x3FB4]  }
0x39: {  	_ = 	snop;
	(pc) =	sbr.ind lr, $3  }
0x3a: {  	_ = 	snop  }
0x3b: {  	_ = 	snop  }
0x3c: {  	p2 =	seq.s32 s10, $0x1;
	s10 =	sld [smem:$0x3FB3]  }
0x3d: {  	_ =	shalt  }
0x3e: {  	_ =	shalt  }
0x3f: {  	_ =	shalt  }
0x40: {  	_ =	shalt  }
0x41: {  	_ =	shalt  }
0x42: {  	_ =	shalt  }
0x43: {  	_ =	shalt  }
0x44: {  	_ =	shalt  }
0x45: {  	_ =	shalt  }
0x46: {  	_ =	shalt  }
0x47: {  	_ =	shalt  }
0x48: {  	_ =	shalt  }
0x49: {  	_ =	shalt  }
0x4a: {  	_ =	shalt  }
0x4b: {  	_ =	shalt  }
0x4c: {  	_ =	shalt  }
0x4d: {  	_ =	shalt  }
0x4e: {  	_ =	shalt  }
0x4f: {  	_ =	shalt  }
0x50: {  	_ =	shalt  }
0x51: {  	_ =	shalt  }
0x52: {  	_ =	shalt  }
0x53: {  	_ =	shalt  }
0x54: {  	_ =	shalt  }
0x55: {  	_ =	shalt  }
0x56: {  	_ =	shalt  }
0x57: {  	_ =	shalt  }
0x58: {  	_ =	shalt  }
0x59: {  	_ =	shalt  }
0x5a: {  	_ =	shalt  }
0x5b: {  	_ =	shalt  }
0x5c: {  	_ =	shalt  }
0x5d: {  	_ =	shalt  }
0x5e: {  	_ =	shalt  }
0x5f: {  	_ =	shalt  }
0x60: {  	_ =	shalt  }
0x61: {  	_ =	shalt  }
0x62: {  	_ =	shalt  }
0x63: {  	_ =	shalt  }
0x64: {  	_ =	shalt  }
0x65: {  	_ =	shalt  }
0x66: {  	_ =	shalt  }
0x67: {  	_ =	shalt  }
0x68: {  	_ =	shalt  }
0x69: {  	_ =	shalt  }
0x6a: {  	_ =	shalt  }
0x6b: {  	_ =	shalt  }
0x6c: {  	_ =	shalt  }
0x6d: {  	_ =	shalt  }
0x6e: {  	_ =	shalt  }
0x6f: {  	_ =	shalt  }
0x70: {  	_ =	shalt  }
0x71: {  	_ =	shalt  }
0x72: {  	_ =	shalt  }
0x73: {  	_ =	shalt  }
0x74: {  	_ =	shalt  }
0x75: {  	_ =	shalt  }
0x76: {  	_ =	shalt  }
0x77: {  	_ =	shalt  }
0x78: {  	_ =	shalt  }
0x79: {  	_ =	shalt  }
0x7a: {  	_ =	shalt  }
0x7b: {  	_ =	shalt  }
0x7c: {  	_ =	shalt  }
0x7d: {  	_ =	shalt  }
0x7e: {  	_ =	shalt  }
0x7f: {  	_ =	shalt  }
0x80: {  	_ =	shalt  }
0x81: {  	_ =	shalt  }
0x82: {  	_ =	shalt  }
0x83: {  	_ =	shalt  }
0x84: {  	_ =	shalt  }
0x85: {  	_ =	shalt  }
0x86: {  	_ =	shalt  }
0x87: {  	_ =	shalt  }
.Lfunc_end0:
.L_simem_size_0:
called_computation_lowered:
.L_overlay_start_0:
0x88: {  	s2 =	sld [smem:$0x3FD9]  }
0x89: {  	s3 =	sld [smem:$0x3FFE];
	_ =	sdelay $0x1  }
0x8a: {  	s1 =	srdreg.scid  }
0x8b: {  	s0 =	sand.u32 $0x1, s1  }
0x8c: {  	s17 =	sshll.u32 s0, $0xA;
	s2 =	sadd.s32 s3, s2  }
0x8d: {  	s2 =	sadd.s32 s2, s17  }
0x8e: {  	[smem:$0x3FBF] =	sst s2  }
0x8f: {  	_ = 	snop  }
0x90: {  	s2 =	sld [smem:$0x3FD0];
	(tm) =	ssettm $0x1  }
0x91: {  	s18 =	sld [smem:$0x3FFB];
	_ =	sdelay $0x3  }
0x92: {  	_ =	strace s18  }
0x93: {  	s3 =	sld [smem:$0x3FFC];
	_ =	sdelay $0x3  }
0x94: {  	_ =	strace s3  }
0x95: {  	s3 =	sld [smem:$0x3FFD];
	_ =	sdelay $0x3  }
0x96: {  	_ =	strace s3  }
0x97: {  	_ =	strace $0x8FFFFFFF  }
0x98: {  	s19 =	sld [smem:$0x3FDB];
	_ =	sdelay $0x1  }
0x99: {  	s4 =	simm.s32 $_scs_section_size  }
0x9a: {  	s5 =	simm.s32 $_size__tile_overlayer_lowered;
	s6 =	simm.s32 $_tile_overlayer_lowered  }
0x9b: {  	s22 =	simm.s32 $0x1BFF;
	s21 =	sshll.u32 s6, $0x1;
	s3 =	sadd.s32 s4, s19  }
0x9c: {  	s7 =	simm.s32 $0x0;
	s20 =	sshll.u32 s5, $0x1;
	s5 =	sadd.s32 s21, s3  }
0x9d: {  	[timem:s7], [sflag:s22] =	dma.local [hbm:s5], s20  }
0x9e: {  	_ =	swait.ge [sflag:s22], s20  }
0x9f: {  	s4 =	ssub.s32 $0x0, s20;
	[sflag:s22] =	ssyncset.done $0x0  }
0xa0: {  	[sflag:s22] =	ssyncadd.s32 s4;
	_ =	sdelay $0x1  }
0xa1: {  	s23 =	simm.s32 $0x1B8B  }
0xa2: {  	_ =	swait.ge [sflag:s23], $0x1  }
0xa3: {  	[sflag:s23] =	ssyncset.done $0x0  }
0xa4: {  	s25 =	simm.s32 $0x1B8E;
	s24 =	sld [smem:$0x3FFE];
	[sflag:s23] =	ssyncadd.s32 $0xFFFFFFFF  }
0xa5: {  	s26 =	simm.s32 $execute0_lowered;
	[smem:$0x3FD2] =	sst s25  }
0xa6: {  	s5 =	sshll.u32 s26, $0x1;
	_ =	strace $0x80000046;
	[dreg:$0x1] =	wrdreg $0xFFFFFFFF  }
0xa7: {  	s28 =	simm.s32 $_size_execute0_lowered;
	s3 =	sadd.s32 s3, s5;
	[dreg:$0x0] =	wrdreg $0x0  }
0xa8: {  	s5 =	sshll.u32 s28, $0x1;
	[dreg:$0x2] =	wrdreg s3  }
0xa9: {  	[dreg:$0x3] =	wrdreg s5  }
0xaa: {  	[dreg:$0x4] =	wrdreg $0xC0  }
0xab: {  	_ =	task [dreg:s7], $0x5FFFF  }
0xac: {  	[dreg:$0x1] =	wrdreg $0xFFFFFFFF  }
0xad: {  	[dreg:$0x0] =	wrdreg $0x60  }
0xae: {  	[dreg:$0x2] =	wrdreg s24  }
0xaf: {  	[dreg:$0x3] =	wrdreg s2  }
0xb0: {  	[dreg:$0x4] =	wrdreg $0x9  }
0xb1: {  	_ =	task.clear_ibuf [dreg:s7], $0x5FFFF;
	_ =	strace $0x90000046  }
0xb2: {  	s29 =	simm.s32 $0x9;
	_ =	strace $0x80000048  }
0xb3: {  	_ =	swait.ge [sflag:s29], $0x1  }
0xb4: {  	[sflag:s29] =	ssyncadd.s32 $0xFFFFFFFF  }
0xb5: {  	_ =	strace $0x90000048  }
0xb6: {  	_ =	sfence  }
0xb7: {  	s30 =	sld [smem:$0x0];
	_ =	sdelay $0x2  }
0xb8: {  	s31 =	sshll.u32 s1, $0xD;
	s1 =	sshrl.u32 s1, $0x2  }
0xb9: {  	s3 =	sand.u32 $0x4000, s31;
	s1 =	sadd.s32 s1, s30  }
0xba: {  	s0 =	sor.u32 s3, s0;
	s1 =	sshll.u32 s1, $0x11  }
0xbb: {  	s0 =	sor.u32 s1, s0  }
0xbc: {  	s0 =	sadd.s32 $0x8F2B, s0  }
0xbd: {  	[sflag:s0] =	ssyncadd.remote.s32 $0x1  }
0xbe: {  	_ =	sfence.sel $0xFFFF  }
0xbf: {  	[dreg:$0x0] =	wrdreg $0xFFFFFFFF;
	(pc) =	sbr.abs _section_cstart, $3  }
0xc0: {  	[dreg:$0x1] =	wrdreg $0xFFFFFFFF  }
0xc1: {  	_ =	task.clear_ibuf [dreg:s7], $0x2FFFF;
	_ =	strace $0x9FFFFFFF  }
0xc2: {  	(tm) =	ssettm $0x7FFFFFFF  }
0xc3: {  	_ =	shalt  }
tec
execute0_lowered:
.L_overlay_start_1:
0x0: {  	(tag) =	ssettag $0x1  }
0x1: {  	s0 =	rddreg [dreg:$0x0];
	s2 =	simm.s32 $0x0  }
0x2: {  	s1 =	srdreg.scid;
	s9 =	stileid.u32;
	s14 =	simm.s32 $0x2  }
0x3: {  	s15 =	simm.s32 $0x7D0;
	s16 =	simm.s32 $0xFA0;
	s17 =	simm.s32 $0x4E20  }
0x4: {  	s18 =	simm.s32 $0x1;
	s22 =	simm.s32 $0xBB80;
	[smem:$0x7FF] =	sst s2  }
0x5: {  	s3 =	sadd.s32 $0x126400, s0;
	s5 =	sadd.s32 $0x13EC00, s0;
	s1 =	sand.u32 $0x1, s1  }
0x6: {  	s6 =	sadd.s32 $0x1400, s0;
	s7 =	sadd.s32 $0x202200, s0;
	s4 =	ssub.s32 $0x2, s1  }
0x7: {  	s8 =	sadd.s32 $0x263E00, s0;
	s10 =	sshll.u32 s9, $0x1;
	s11 =	sshrl.u32 s4, $0x1  }
0x8: {  	s9 =	sadd.s32 $0x2C5A00, s0;
	_ =	strace $0x80000047;
	s31 =	ssub.s32 s4, s11  }
0x9: {  	v0 =	vlaneseq.u32;
	s1 =	sor.u32 s1, s10;
	s10 =	sadd.s32 $0x327600, s0;
	s0 =	smax.u32 s31, $0x1  }
0xa: {  	v0 =	vmul.u32 $0x8, v0;
	s11 =	smul.u32 $0x186A0, s1;
	s1 =	simm.s32 $0x0;
	[dreg:$0x3] =	wrdreg s0  }
.LBB2_1:
0xb: {  	[dreg:$0x4] =	wrdreg s1  }
0xc: {  	s0 =	rddreg [dreg:$0x1];
	s31 =	simm.s32 $0xC350  }
0xd: {  	[tilespmem:s31], [sflag:$0x2] =	stream.linear.gather [hbm4b:s0+s2], $0x30, $0x38;
	[tilespmem:$0xC380] =	vst v63  }
0xe: {  	_ =	swait.ge [sflag:s14], $0x30  }
0xf: {  	[sflag:s14] =	ssyncset.done $0x0  }
0x10: {  	[sflag:s14] =	ssyncadd.s32 $0xFFFFFFD0  }
0x11: {  	v1 =	vld [tilespmem:$0xC350]  }
0x12: {  	v2 =	vld [tilespmem:$0xC360]  }
0x13: {  	s24 =	simm.s32 $0x0;
	v3 =	vld [tilespmem:$0xC370]  }
.LBB2_2:
0x14: {  	s0 =	smul.u32 $0x7D0, s24;
	_ =	sdelay $0x1  }
0x15: {  	s0 =	sadd.s32 s11, s0  }
0x16: {  	s25 =	sshrl.u32 s0, $0x3  }
0x17: {  	s1 =	simm.s32 $0x0;
	s0 =	sadd.s32 s5, s25  }
0x18: {  	[tilespmem:s1], [sflag:$0x2] =	stream.linear.gather [hbm4b:s0+s1], $0x7D0, $0x38;
	[tilespmem:$0xC380] =	vst v63  }
0x19: {  	_ =	swait.ge [sflag:s14], $0x7D0  }
0x1a: {  	s12 =	sadd.s32 $0x61A80, s25;
	[sflag:s14] =	ssyncset.done $0x0  }
0x1b: {  	s4 =	sadd.s32 s5, s12;
	[sflag:s14] =	ssyncadd.s32 $0xFFFFF830  }
0x1c: {  	[tilespmem:s15], [sflag:$0x2] =	stream.linear.gather [hbm4b:s4+s1], $0x7D0, $0x38;
	[tilespmem:$0xC380] =	vst v63  }
0x1d: {  	_ =	swait.ge [sflag:s14], $0x7D0  }
0x1e: {  	[sflag:s14] =	ssyncset.done $0x0  }
0x1f: {  	[sflag:s14] =	ssyncadd.s32 $0xFFFFF830  }
0x20: {  	[tilespmem:s16], [sflag:$0x1] =	stream.indirect.gather [hbm4b:s3+s15], $0x4, s1, s15, $0xb8;
	[tilespmem:$0xC380] =	vst v63  }
0x21: {  	_ = 	snop  }
0x22: {  	[tilespmem:s17], [sflag:$0x1] =	stream.indirect.gather [hbm4b:s3+s15], $0x4, s15, s15, $0xb8;
	[tilespmem:$0xC380] =	vst v63  }
0x23: {  	s26 =	simm.s32 $0x8CA0;
	s13 =	sadd.s32 s6, s25  }
0x24: {  	[tilespmem:s26], [sflag:$0x2] =	stream.linear.gather [hbm4b:s13+s1], $0x7D0, $0x38;
	[tilespmem:$0xC380] =	vst v63  }
0x25: {  	_ =	swait.ge [sflag:s14], $0x7D0  }
0x26: {  	[sflag:s14] =	ssyncset.done $0x0  }
0x27: {  	s28 =	simm.s32 $0x9470;
	s0 =	sadd.s32 s6, s12;
	[sflag:s14] =	ssyncadd.s32 $0xFFFFF830  }
0x28: {  	[tilespmem:s28], [sflag:$0x2] =	stream.linear.gather [hbm4b:s0+s1], $0x7D0, $0x38;
	[tilespmem:$0xC380] =	vst v63  }
0x29: {  	_ =	swait.ge [sflag:s14], $0x7D0  }
0x2a: {  	[sflag:s14] =	ssyncset.done $0x0  }
0x2b: {  	s20 =	simm.s32 $0x9C40;
	s19 =	sadd.s32 $0xC3500, s13;
	[sflag:s14] =	ssyncadd.s32 $0xFFFFF830  }
0x2c: {  	[tilespmem:s20], [sflag:$0x2] =	stream.linear.gather [hbm4b:s19+s1], $0x7D0, $0x38;
	[tilespmem:$0xC380] =	vst v63  }
0x2d: {  	_ =	swait.ge [sflag:s14], $0x7D0  }
0x2e: {  	[sflag:s14] =	ssyncset.done $0x0  }
0x2f: {  	[sflag:s14] =	ssyncadd.s32 $0xFFFFF830  }
0x30: {  	_ =	swait.ge [sflag:s18], $0x1F40  }
0x31: {  	v4 =	vmov s1;
	[sflag:s18] =	ssyncset.done $0x0  }
0x32: {  	v4 =	vshll.u32 v4, $0x3;
	[sflag:s18] =	ssyncadd.s32 $0xFFFFE0C0  }
0x33: {  	v4 =	vor.u32 v0, v4;
	_ =	swait.ge [sflag:s18], $0x1F40  }
0x34: {  	v5 =	vor.u32 $0x2, v4;
	[sflag:s18] =	ssyncset.done $0x0  }
0x35: {  	[sflag:s18] =	ssyncadd.s32 $0xFFFFE0C0  }
0x36: {  	v6 =	vor.u32 $0x1, v4;
	v9 =	vld [tilespmem:s28+$0x0]  }
0x37: {  	v7 =	vld [tilespmem:s26+$0x0]  }
0x38: {  	v8 =	vld.idx.msk [tilespmem:v4+s16+$0x0], $0xffff  }
0x39: {  	v10 =	vld.idx.msk [tilespmem:v5+s17+$0x0], $0xffff  }
0x3a: {  	v4 =	vld.idx.msk [tilespmem:v4+s17+$0x0], $0xffff  }
0x3b: {  	v11 =	vld.idx.msk [tilespmem:v6+s16+$0x0], $0xffff  }
0x3c: {  	v6 =	vld.idx.msk [tilespmem:v6+s17+$0x0], $0xffff  }
0x3d: {  	v5 =	vld.idx.msk [tilespmem:v5+s16+$0x0], $0xffff  }
0x3e: {  	v12 =	vld [tilespmem:s20+$0x0];
	_ =	sdelay $0x1  }
0x3f: {  	v4 =	vsub.f32 v8, v4  }
0x40: {  	v8 =	vmul.f32 v7, v1;
	v13 =	vmul.f32 v9, v2;
	v6 =	vsub.f32 v11, v6  }
0x41: {  	v5 =	vsub.f32 v5, v10  }
0x42: {  	v4 =	vsub.f32 v4, v8;
	v8 =	vmul.f32 v12, v3;
	v6 =	vsub.f32 v6, v13;
	_ =	sdelay $0x1  }
0x43: {  	v10 =	vmul.f32 v4, v4;
	v8 =	vsub.f32 v5, v8;
	v5 =	vmul.f32 v6, v6  }
0x44: {  	s23 =	simm.s32 $0xA410;
	s21 =	simm.s32 $0x10  }
0x45: {  	s29 =	simm.s32 $0xB3C0;
	s30 =	simm.s32 $0xBB90;
	s31 =	simm.s32 $0xABF0;
	v11 =	vmul.f32 v8, v8;
	v10 =	vadd.f32 v5, v10  }
0x46: {  	s12 =	simm.s32 $0xABE0;
	s4 =	simm.s32 $0xBB80;
	s13 =	simm.s32 $0xB3B0;
	v6 =	vmul.f32 v6, v9;
	v5 =	vmul.f32 v4, v7  }
0x47: {  	s0 =	simm.s32 $0xA420;
	s19 =	simm.s32 $0x20;
	s1 =	simm.s32 $0x9C50;
	v4 =	vmul.f32 v8, v12;
	v8 =	vmov s21;
	v7 =	vadd.f32 v11, v10  }
.LBB2_3:
0x48: {  	s26 =	sadd.s32 $0x10, s26;
	s28 =	sadd.s32 $0x10, s28  }
0x49: {  	v8 =	vshll.u32 v8, $0x3;
	[tilespmem:s23+$0x0] =	vst v7;
	s20 =	smov.u32 s19;
	s21 =	sadd.s32 $0x10, s19;
	s23 =	smov.u32 s0  }
0x4a: {  	p0 =	sne.s32 s19, $0x7C0;
	v7 =	vor.u32 v0, v8;
	[tilespmem:s12+$0x0] =	vst v5;
	s12 =	smov.u32 s31  }
0x4b: {  	v5 =	vor.u32 $0x1, v7;
	v8 =	vor.u32 $0x2, v7;
	[tilespmem:s13+$0x0] =	vst v6;
	s13 =	smov.u32 s29  }
0x4c: {  	[tilespmem:s4+$0x0] =	vst v4;
	s4 =	smov.u32 s30  }
0x4d: {  	v6 =	vld [tilespmem:s28+$0x0]  }
0x4e: {  	v4 =	vld [tilespmem:s26+$0x0]  }
0x4f: {  	v9 =	vld.idx.msk [tilespmem:v7+s16+$0x0], $0xffff  }
0x50: {  	v10 =	vld.idx.msk [tilespmem:v8+s17+$0x0], $0xffff  }
0x51: {  	v7 =	vld.idx.msk [tilespmem:v7+s17+$0x0], $0xffff  }
0x52: {  	v11 =	vld.idx.msk [tilespmem:v5+s16+$0x0], $0xffff  }
0x53: {  	v5 =	vld.idx.msk [tilespmem:v5+s17+$0x0], $0xffff  }
0x54: {  	v8 =	vld.idx.msk [tilespmem:v8+s16+$0x0], $0xffff  }
0x55: {  	v12 =	vld [tilespmem:s1+$0x0];
	_ =	sdelay $0x1  }
0x56: {  	v7 =	vsub.f32 v9, v7;
	v9 =	vmul.f32 v4, v1  }
0x57: {  	v13 =	vmul.f32 v6, v2  }
0x58: {  	v7 =	vsub.f32 v7, v9;
	v9 =	vsub.f32 v11, v5  }
0x59: {  	v8 =	vsub.f32 v8, v10;
	v10 =	vmul.f32 v12, v3  }
0x5a: {  	v5 =	vmul.f32 v7, v4;
	v9 =	vsub.f32 v9, v13  }
0x5b: {  	v7 =	vmul.f32 v7, v7;
	v4 =	vsub.f32 v8, v10  }
0x5c: {  	v8 =	vmul.f32 v9, v9  }
.Ltmp0:
0x5d: {  	v10 =	vmul.f32 v4, v4;
	v4 =	vmul.f32 v4, v12;
	(pc) =	sbr.rel @p0 .LBB2_3-.Ltmp0, $3  }
0x5e: {  	v7 =	vadd.f32 v8, v7;
	_ =	sdelay $0x1  }
0x5f: {  	s0 =	sadd.s32 $0x10, s0;
	s29 =	sadd.s32 $0x10, s29;
	s30 =	sadd.s32 $0x10, s30;
	v7 =	vadd.f32 v10, v7  }
0x60: {  	s31 =	sadd.s32 $0x10, s31;
	s19 =	smov.u32 s21;
	s1 =	sadd.s32 $0x10, s1;
	v6 =	vmul.f32 v9, v6;
	v8 =	vmov s20  }
0x61: {  	v8 =	vshll.u32 v8, $0x3;
	[tilespmem:s23+$0x0] =	vst v7  }
0x62: {  	v57 =	vor.u32 v0, v8;
	[tilespmem:s12+$0x0] =	vst v5  }
0x63: {  	[tilespmem:s13+$0x0] =	vst v6  }
0x64: {  	s19 =	sadd.s32 $0x10, s28;
	v5 =	vor.u32 $0x2, v57;
	[tilespmem:s4+$0x0] =	vst v4  }
0x65: {  	s20 =	sadd.s32 $0x10, s26;
	v4 =	vor.u32 $0x1, v57;
	v6 =	vld [tilespmem:s19+$0x0]  }
0x66: {  	v58 =	vld [tilespmem:s20+$0x0]  }
0x67: {  	v9 =	vld.idx.msk [tilespmem:v57+s16+$0x0], $0xffff  }
0x68: {  	v7 =	vld.idx.msk [tilespmem:v57+s17+$0x0], $0xffff  }
0x69: {  	v10 =	vld.idx.msk [tilespmem:v5+s17+$0x0], $0xffff  }
0x6a: {  	v11 =	vld.idx.msk [tilespmem:v4+s16+$0x0], $0xffff  }
0x6b: {  	v4 =	vld.idx.msk [tilespmem:v4+s17+$0x0], $0xffff  }
0x6c: {  	v5 =	vld.idx.msk [tilespmem:v5+s16+$0x0], $0xffff  }
0x6d: {  	v12 =	vld [tilespmem:s1+$0x0];
	_ =	sdelay $0x1  }
0x6e: {  	v59 =	vmul.f32 v58, v1  }
0x6f: {  	v13 =	vmul.f32 v6, v2;
	v7 =	vsub.f32 v9, v7;
	v4 =	vsub.f32 v11, v4  }
0x70: {  	v5 =	vsub.f32 v5, v10  }
0x71: {  	v60 =	vmul.f32 v12, v3;
	v7 =	vsub.f32 v7, v59;
	v4 =	vsub.f32 v4, v13;
	_ =	sdelay $0x1  }
0x72: {  	v5 =	vsub.f32 v5, v60;
	v61 =	vmul.f32 v7, v7;
	v62 =	vmul.f32 v4, v4;
	_ =	sdelay $0x1  }
0x73: {  	v63 =	vmul.f32 v5, v5;
	v9 =	vadd.f32 v62, v61;
	_ =	sdelay $0x1  }
0x74: {  	v9 =	vadd.f32 v63, v9  }
0x75: {  	v7 =	vmul.f32 v7, v58  }
0x76: {  	v4 =	vmul.f32 v4, v6;
	[tilespmem:s0+$0x0] =	vst v9  }
0x77: {  	v5 =	vmul.f32 v5, v12;
	[tilespmem:s31+$0x0] =	vst v7  }
0x78: {  	[tilespmem:s29+$0x0] =	vst v4  }
0x79: {  	s21 =	sadd.s32 s7, s25;
	s23 =	simm.s32 $0xA410;
	[tilespmem:s30+$0x0] =	vst v5  }
0x7a: {  	[hbm4b:s21+s2] =	stream.linear.scatter [tilespmem:s23], [sflag:$0x2], $0x7D0, $0x38;
	[tilespmem:$0xC380] =	vst v63  }
0x7b: {  	_ =	swait.ge [sflag:s14], $0x7D0  }
0x7c: {  	[sflag:s14] =	ssyncset.done $0x0  }
0x7d: {  	s26 =	sadd.s32 s8, s25;
	s28 =	simm.s32 $0xABE0;
	[sflag:s14] =	ssyncadd.s32 $0xFFFFF830  }
0x7e: {  	[hbm4b:s26+s2] =	stream.linear.scatter [tilespmem:s28], [sflag:$0x2], $0x7D0, $0x38;
	[tilespmem:$0xC380] =	vst v63  }
0x7f: {  	_ =	swait.ge [sflag:s14], $0x7D0  }
0x80: {  	[sflag:s14] =	ssyncset.done $0x0  }
0x81: {  	s29 =	sadd.s32 s9, s25;
	s30 =	simm.s32 $0xB3B0;
	[sflag:s14] =	ssyncadd.s32 $0xFFFFF830  }
0x82: {  	[hbm4b:s29+s2] =	stream.linear.scatter [tilespmem:s30], [sflag:$0x2], $0x7D0, $0x38;
	[tilespmem:$0xC380] =	vst v63  }
0x83: {  	s24 =	sadd.s32 $0x1, s24;
	_ =	swait.ge [sflag:s14], $0x7D0  }
0x84: {  	p0 =	sne.s32 s24, $0x32;
	[sflag:s14] =	ssyncset.done $0x0  }
.Ltmp1:
0x85: {  	s31 =	sadd.s32 s10, s25;
	[sflag:s14] =	ssyncadd.s32 $0xFFFFF830;
	(pc) =	sbr.rel @p0 .LBB2_2-.Ltmp1, $4  }
0x86: {  	[hbm4b:s31+s2] =	stream.linear.scatter [tilespmem:s22], [sflag:$0x2], $0x7D0, $0x38;
	[tilespmem:$0xC380] =	vst v63  }
0x87: {  	_ =	swait.ge [sflag:s14], $0x7D0  }
0x88: {  	[sflag:s14] =	ssyncset.done $0x0  }
0x89: {  	[sflag:s14] =	ssyncadd.s32 $0xFFFFF830  }
0x8a: {  	s1 =	rddreg [dreg:$0x4]  }
0x8b: {  	s0 =	rddreg [dreg:$0x3];
	s1 =	sadd.s32 $0x1, s1  }
0x8c: {  	p0 =	sne.s32 s1, s0  }
.Ltmp2:
0x8d: {  	_ = 	snop;
	(pc) =	sbr.rel @p0 .LBB2_1-.Ltmp2, $1  }
0x8e: {  	_ =	sdelay $0x3  }
0x8f: {  	_ =	sfence.sel $0x180000  }
0x90: {  	[bflag:$0x0] =	sbarrier.arrive $0xFFFF  }
0x91: {  	_ =	strace $0x90000047  }
0x92: {  	s0 =	stileid.u32;
	[bflag:$0x2] =	sbarrier.arrive $0xFFFF  }
0x93: {  	p0 =	sne.s32 s0, $0x0;
	s0 =	rddreg [dreg:$0x2]  }
0x94: {  	s0 =	sadd.s32 @!p0 $0x100000, s0  }
0x95: {  	[sflag:s0] =	ssyncadd.tile.s32 @!p0 $0x1;
	_ =	shalt  }
.Lfunc_end2:
_tile_overlayer_lowered:
.L_overlay_start_2:
0x96: {  	(tag) =	ssettag $0x2  }
0x97: {  	s0 =	rddreg [dreg:$0x0];
	s2 =	stileid.u32  }
0x98: {  	s1 =	rddreg [dreg:$0x1];
	p0 =	sne.s32 s2, $0x0  }
0x99: {  	s3 =	rddreg [dreg:$0x2];
	[bflag:$0x3] =	sbarrier.arrive $0xFFFF;
	s2 =	simm.s32 @!p0 $0x1C02  }
0x9a: {  	[timem:s3], [sflag:s2] =	dma.local @!p0 [hbm:s0], s1  }
0x9b: {  	s0 =	simm.s32 @!p0 $0x2  }
0x9c: {  	_ =	swait.ge @!p0 [sflag:s0], s1  }
0x9d: {  	s1 =	ssub.s32 @!p0 $0x0, s1;
	[sflag:s0] =	ssyncset.done @!p0 $0x0  }
0x9e: {  	[sflag:s0] =	ssyncadd.s32 @!p0 s1  }
0x9f: {  	[bflag:$0x3] =	sbarrier.arrive $0xFFFF  }
0xa0: {  	_ =	shalt  }

</sc_bundles>
